<compile_context>
chip_gen: v7x
topology: tpu7x:2x2x1
jax: 0.10.2.dev20260603
libtpu: 0.0.44.dev20260713+nightly
codegen_flags: <defaults>
</compile_context>

<pallas_src>
import functools

import jax
import jax.numpy as jnp
from jax import lax
from jax.experimental import pallas as pl
from jax.experimental.pallas import tpu as pltpu
from jax.experimental.pallas import tpu_sc as plsc

_CHUNK = 16384
_NBUF = 2


def _build(n_atoms: int, n_species: int):
    info = plsc.get_sparse_core_info()
    nc, ns, nl = info.num_cores, info.num_subcores, info.num_lanes
    nw = nc * ns
    per_w = n_atoms // nw
    n_chunks = per_w // _CHUNK
    assert per_w * nw == n_atoms and n_chunks * _CHUNK == per_w

    mesh = plsc.VectorSubcoreMesh(core_axis_name="c", subcore_axis_name="s")

    @functools.partial(
        pl.kernel,
        mesh=mesh,
        out_type=jax.ShapeDtypeStruct((n_atoms,), jnp.float32),
        compiler_params=pltpu.CompilerParams(needs_layout_passes=False),
        scratch_types=[
            pltpu.VMEM((n_species,), jnp.float32),
            [pltpu.VMEM((_CHUNK,), jnp.int32) for _ in range(_NBUF)],
            [pltpu.VMEM((_CHUNK,), jnp.float32) for _ in range(_NBUF)],
            [pltpu.SemaphoreType.DMA for _ in range(_NBUF)],
            [pltpu.SemaphoreType.DMA for _ in range(_NBUF)],
        ],
    )
    def gather_kernel(species_hbm, const_hbm, out_hbm, table_v, idx_bufs,
                      out_bufs, in_sems, out_sems):
        wid = lax.axis_index("s") * nc + lax.axis_index("c")
        base = wid * per_w

        def in_copy(g, b):
            return pltpu.make_async_copy(
                species_hbm.at[pl.ds(base + g * _CHUNK, _CHUNK)],
                idx_bufs[b], in_sems[b])

        def out_copy(g, b):
            return pltpu.make_async_copy(
                out_bufs[b], out_hbm.at[pl.ds(base + g * _CHUNK, _CHUNK)],
                out_sems[b])

        for b in range(min(_NBUF, n_chunks)):
            in_copy(b, b).start()
        pltpu.sync_copy(const_hbm, table_v)
        for g in range(n_chunks):
            b = g % _NBUF
            in_copy(g, b).wait()
            if g >= _NBUF:
                out_copy(g - _NBUF, b).wait()
            idx_v, out_v = idx_bufs[b], out_bufs[b]

            @plsc.parallel_loop(0, _CHUNK, step=nl, unroll=8)
            def gather_body(i):
                iv = idx_v[pl.ds(i, nl)]
                out_v[pl.ds(i, nl)] = plsc.load_gather(table_v, [iv])

            out_copy(g, b).start()
            if g + _NBUF < n_chunks:
                in_copy(g + _NBUF, b).start()
        for g in range(max(0, n_chunks - _NBUF), n_chunks):
            out_copy(g, g % _NBUF).wait()

    return gather_kernel


def kernel(species, constant):
    return _build(species.shape[0], constant.shape[0])(species, constant)

# --- scband reference (transcript-rebuilt; emitter-appended) ---
"""Pipeline reference for scband-chemical-constant-15101105013309 (READ-ONLY COPY).

The authoritative reference and input builder live on the scoring server;
editing this copy changes nothing except your own understanding.
"""

import jax, jax.numpy as jnp
import numpy as np

N_SPECIES = 119
N_ATOMS = 4194304

def setup_inputs(seed: int = 0) -> dict:
    key = jax.random.key(seed)
    k1, k2 = jax.random.split(key)
    species = jax.random.randint(k1, (N_ATOMS,), 0, N_SPECIES, dtype=jnp.int32)
    # trainable per-element constant table (init value = [0.0, 1.0, ..., 118.0])
    constant = jnp.asarray(np.arange(N_SPECIES, dtype=np.float32))
    return {"species": species, "constant": constant}

def reference(species, constant):
    # ChemicalConstant forward: gather per-atom constant by species index
    output = jnp.take(constant, species, axis=0)
    # module returns {**inputs, output_key: output}; the new tensor is `output`
    return output

if __name__ == "__main__":
    import jax
    _d = setup_inputs()
    print(jax.jit(kernel)(*tuple(_d.values())))

</pallas_src>

<mosaic_0001>
#map = affine_map<(d0, d1) -> (0)>
module attributes {stable_mosaic.version = 14 : i64} {
  func.func @gather_kernel(%arg0: i32, %arg1: i32, %arg2: memref<4194304xi32, #tpu.memory_space<hbm>>, %arg3: memref<119xf32, #tpu.memory_space<hbm>>, %arg4: memref<4194304xf32, #tpu.memory_space<hbm>>, %arg5: memref<119xf32, #tpu.memory_space<vmem>>, %arg6: memref<16384xi32, #tpu.memory_space<vmem>>, %arg7: memref<16384xi32, #tpu.memory_space<vmem>>, %arg8: memref<16384xf32, #tpu.memory_space<vmem>>, %arg9: memref<16384xf32, #tpu.memory_space<vmem>>, %arg10: memref<!tpu.dma_semaphore, #tpu.memory_space<semaphore_mem>>, %arg11: memref<!tpu.dma_semaphore, #tpu.memory_space<semaphore_mem>>, %arg12: memref<!tpu.dma_semaphore, #tpu.memory_space<semaphore_mem>>, %arg13: memref<!tpu.dma_semaphore, #tpu.memory_space<semaphore_mem>>) attributes {dimension_semantics = [#tpu.dimension_semantics<core_parallel>, #tpu.dimension_semantics<subcore_parallel>], iteration_bounds = array<i64: 2, 16>, scalar_prefetch = 0 : i64, scratch_operands = 9 : i64, tpu.core_type = #tpu.core_type<sc_vector_subcore>, window_params = [{transform_indices = #map}, {transform_indices = #map}, {transform_indices = #map}]} {
    %mul3A = arith.constant 2 : i32
    %mul3A_0 = arith.muli %arg1, %mul3A : i32
    %add3A = arith.addi %mul3A_0, %arg0 : i32
    %mul3A_1 = arith.constant 131072 : i32
    %mul3A_2 = arith.muli %add3A, %mul3A_1 : i32
    %add3A_3 = arith.constant 0 : i32
    %add3A_4 = arith.addi %mul3A_2, %add3A_3 : i32
    %dma_start3A = tpu.memref_slice %arg2[%add3A_4] : memref<4194304xi32, #tpu.memory_space<hbm>> -> memref<16384xi32, #tpu.memory_space<hbm>>
    %dma_start3A_5 = tpu.memref_slice %arg2[%add3A_4] : memref<4194304xi32, #tpu.memory_space<hbm>> -> memref<16384xi32, #tpu.memory_space<hbm>>
    tpu.enqueue_dma source(%dma_start3A_5 : memref<16384xi32, #tpu.memory_space<hbm>>) target(%arg6 : memref<16384xi32, #tpu.memory_space<vmem>>) target_semaphore(%arg10 : memref<!tpu.dma_semaphore, #tpu.memory_space<semaphore_mem>>)
    %add3A_6 = arith.constant 16384 : i32
    %add3A_7 = arith.addi %mul3A_2, %add3A_6 : i32
    %dma_start3A_8 = tpu.memref_slice %arg2[%add3A_7] : memref<4194304xi32, #tpu.memory_space<hbm>> -> memref<16384xi32, #tpu.memory_space<hbm>>
    %dma_start3A_9 = tpu.memref_slice %arg2[%add3A_7] : memref<4194304xi32, #tpu.memory_space<hbm>> -> memref<16384xi32, #tpu.memory_space<hbm>>
    tpu.enqueue_dma source(%dma_start3A_9 : memref<16384xi32, #tpu.memory_space<hbm>>) target(%arg7 : memref<16384xi32, #tpu.memory_space<vmem>>) target_semaphore(%arg11 : memref<!tpu.dma_semaphore, #tpu.memory_space<semaphore_mem>>)
    "tpu.region"() ({
      %run_scoped3A = tpu.sem_alloc : memref<!tpu.dma_semaphore, #tpu.memory_space<semaphore_mem>>
      tpu.enqueue_dma source(%arg3 : memref<119xf32, #tpu.memory_space<hbm>>) target(%arg5 : memref<119xf32, #tpu.memory_space<vmem>>) target_semaphore(%run_scoped3A : memref<!tpu.dma_semaphore, #tpu.memory_space<semaphore_mem>>)
      tpu.wait_dma2 semaphore(%run_scoped3A : memref<!tpu.dma_semaphore, #tpu.memory_space<semaphore_mem>>) src(%arg3 : memref<119xf32, #tpu.memory_space<hbm>>) dst(%arg5 : memref<119xf32, #tpu.memory_space<vmem>>)
      tpu.yield
    }) : () -> ()
    %add3A_10 = arith.constant 0 : i32
    %add3A_11 = arith.addi %mul3A_2, %add3A_10 : i32
    %dma_wait3A = tpu.memref_slice %arg2[%add3A_11] : memref<4194304xi32, #tpu.memory_space<hbm>> -> memref<16384xi32, #tpu.memory_space<hbm>>
    %dma_wait3A_12 = tpu.memref_slice %arg2[%add3A_11] : memref<4194304xi32, #tpu.memory_space<hbm>> -> memref<16384xi32, #tpu.memory_space<hbm>>
    tpu.wait_dma2 semaphore(%arg10 : memref<!tpu.dma_semaphore, #tpu.memory_space<semaphore_mem>>) src(%dma_wait3A_12 : memref<16384xi32, #tpu.memory_space<hbm>>) dst(%arg6 : memref<16384xi32, #tpu.memory_space<vmem>>)
    %parallel_loop3A = arith.constant 0 : i32
    %parallel_loop3A_13 = arith.constant 16384 : i32
    %parallel_loop3A_14 = arith.constant 16 : i32
    scf.for %parallel_loop3A_152 = %parallel_loop3A to %parallel_loop3A_13 step %parallel_loop3A_14  : i32 {
      %parallel_loop3A_153 = arith.index_cast %parallel_loop3A_152 : i32 to index
      %parallel_loop3A_154 = tpu.vector_load %arg6[%parallel_loop3A_153] {strides = array<i32>} : memref<16384xi32, #tpu.memory_space<vmem>>, vector<16xi32>,
      %parallel_loop3A_155 = tpu.vector_load_idx %arg5[%parallel_loop3A_154] : memref<119xf32, #tpu.memory_space<vmem>>[vector<16xi32>], vector<16xf32>,
      %parallel_loop3A_156 = arith.index_cast %parallel_loop3A_152 : i32 to index
      %parallel_loop3A_157 = tpu.vector_load %arg8[%parallel_loop3A_156] {strides = array<i32>} : memref<16384xf32, #tpu.memory_space<vmem>>, vector<16xf32>,
      tpu.vector_store %arg8[%parallel_loop3A_156], %parallel_loop3A_155 {strides = array<i32>} : memref<16384xf32, #tpu.memory_space<vmem>>, vector<16xf32>,
    } {sc.loop_unroll_factor = 8 : i64, sc.parallel_access}
    %add3A_15 = arith.constant 0 : i32
    %add3A_16 = arith.addi %mul3A_2, %add3A_15 : i32
    %dma_start3A_17 = tpu.memref_slice %arg4[%add3A_16] : memref<4194304xf32, #tpu.memory_space<hbm>> -> memref<16384xf32, #tpu.memory_space<hbm>>
    %dma_start3A_18 = tpu.memref_slice %arg4[%add3A_16] : memref<4194304xf32, #tpu.memory_space<hbm>> -> memref<16384xf32, #tpu.memory_space<hbm>>
    tpu.enqueue_dma source(%arg8 : memref<16384xf32, #tpu.memory_space<vmem>>) target(%dma_start3A_18 : memref<16384xf32, #tpu.memory_space<hbm>>) target_semaphore(%arg12 : memref<!tpu.dma_semaphore, #tpu.memory_space<semaphore_mem>>)
    %add3A_19 = arith.constant 32768 : i32
    %add3A_20 = arith.addi %mul3A_2, %add3A_19 : i32
    %dma_start3A_21 = tpu.memref_slice %arg2[%add3A_20] : memref<4194304xi32, #tpu.memory_space<hbm>> -> memref<16384xi32, #tpu.memory_space<hbm>>
    %dma_start3A_22 = tpu.memref_slice %arg2[%add3A_20] : memref<4194304xi32, #tpu.memory_space<hbm>> -> memref<16384xi32, #tpu.memory_space<hbm>>
    tpu.enqueue_dma source(%dma_start3A_22 : memref<16384xi32, #tpu.memory_space<hbm>>) target(%arg6 : memref<16384xi32, #tpu.memory_space<vmem>>) target_semaphore(%arg10 : memref<!tpu.dma_semaphore, #tpu.memory_space<semaphore_mem>>)
    %add3A_23 = arith.constant 16384 : i32
    %add3A_24 = arith.addi %mul3A_2, %add3A_23 : i32
    %dma_wait3A_25 = tpu.memref_slice %arg2[%add3A_24] : memref<4194304xi32, #tpu.memory_space<hbm>> -> memref<16384xi32, #tpu.memory_space<hbm>>
    %dma_wait3A_26 = tpu.memref_slice %arg2[%add3A_24] : memref<4194304xi32, #tpu.memory_space<hbm>> -> memref<16384xi32, #tpu.memory_space<hbm>>
    tpu.wait_dma2 semaphore(%arg11 : memref<!tpu.dma_semaphore, #tpu.memory_space<semaphore_mem>>) src(%dma_wait3A_26 : memref<16384xi32, #tpu.memory_space<hbm>>) dst(%arg7 : memref<16384xi32, #tpu.memory_space<vmem>>)
    %parallel_loop3A_27 = arith.constant 0 : i32
    %parallel_loop3A_28 = arith.constant 16384 : i32
    %parallel_loop3A_29 = arith.constant 16 : i32
    scf.for %parallel_loop3A_152 = %parallel_loop3A_27 to %parallel_loop3A_28 step %parallel_loop3A_29  : i32 {
      %parallel_loop3A_153 = arith.index_cast %parallel_loop3A_152 : i32 to index
      %parallel_loop3A_154 = tpu.vector_load %arg7[%parallel_loop3A_153] {strides = array<i32>} : memref<16384xi32, #tpu.memory_space<vmem>>, vector<16xi32>,
      %parallel_loop3A_155 = tpu.vector_load_idx %arg5[%parallel_loop3A_154] : memref<119xf32, #tpu.memory_space<vmem>>[vector<16xi32>], vector<16xf32>,
      %parallel_loop3A_156 = arith.index_cast %parallel_loop3A_152 : i32 to index
      %parallel_loop3A_157 = tpu.vector_load %arg9[%parallel_loop3A_156] {strides = array<i32>} : memref<16384xf32, #tpu.memory_space<vmem>>, vector<16xf32>,
      tpu.vector_store %arg9[%parallel_loop3A_156], %parallel_loop3A_155 {strides = array<i32>} : memref<16384xf32, #tpu.memory_space<vmem>>, vector<16xf32>,
    } {sc.loop_unroll_factor = 8 : i64, sc.parallel_access}
    %add3A_30 = arith.constant 16384 : i32
    %add3A_31 = arith.addi %mul3A_2, %add3A_30 : i32
    %dma_start3A_32 = tpu.memref_slice %arg4[%add3A_31] : memref<4194304xf32, #tpu.memory_space<hbm>> -> memref<16384xf32, #tpu.memory_space<hbm>>
    %dma_start3A_33 = tpu.memref_slice %arg4[%add3A_31] : memref<4194304xf32, #tpu.memory_space<hbm>> -> memref<16384xf32, #tpu.memory_space<hbm>>
    tpu.enqueue_dma source(%arg9 : memref<16384xf32, #tpu.memory_space<vmem>>) target(%dma_start3A_33 : memref<16384xf32, #tpu.memory_space<hbm>>) target_semaphore(%arg13 : memref<!tpu.dma_semaphore, #tpu.memory_space<semaphore_mem>>)
    %add3A_34 = arith.constant 49152 : i32
    %add3A_35 = arith.addi %mul3A_2, %add3A_34 : i32
    %dma_start3A_36 = tpu.memref_slice %arg2[%add3A_35] : memref<4194304xi32, #tpu.memory_space<hbm>> -> memref<16384xi32, #tpu.memory_space<hbm>>
    %dma_start3A_37 = tpu.memref_slice %arg2[%add3A_35] : memref<4194304xi32, #tpu.memory_space<hbm>> -> memref<16384xi32, #tpu.memory_space<hbm>>
    tpu.enqueue_dma source(%dma_start3A_37 : memref<16384xi32, #tpu.memory_space<hbm>>) target(%arg7 : memref<16384xi32, #tpu.memory_space<vmem>>) target_semaphore(%arg11 : memref<!tpu.dma_semaphore, #tpu.memory_space<semaphore_mem>>)
    %add3A_38 = arith.constant 32768 : i32
    %add3A_39 = arith.addi %mul3A_2, %add3A_38 : i32
    %dma_wait3A_40 = tpu.memref_slice %arg2[%add3A_39] : memref<4194304xi32, #tpu.memory_space<hbm>> -> memref<16384xi32, #tpu.memory_space<hbm>>
    %dma_wait3A_41 = tpu.memref_slice %arg2[%add3A_39] : memref<4194304xi32, #tpu.memory_space<hbm>> -> memref<16384xi32, #tpu.memory_space<hbm>>
    tpu.wait_dma2 semaphore(%arg10 : memref<!tpu.dma_semaphore, #tpu.memory_space<semaphore_mem>>) src(%dma_wait3A_41 : memref<16384xi32, #tpu.memory_space<hbm>>) dst(%arg6 : memref<16384xi32, #tpu.memory_space<vmem>>)
    %add3A_42 = arith.constant 0 : i32
    %add3A_43 = arith.addi %mul3A_2, %add3A_42 : i32
    %dma_wait3A_44 = tpu.memref_slice %arg4[%add3A_43] : memref<4194304xf32, #tpu.memory_space<hbm>> -> memref<16384xf32, #tpu.memory_space<hbm>>
    %dma_wait3A_45 = tpu.memref_slice %arg4[%add3A_43] : memref<4194304xf32, #tpu.memory_space<hbm>> -> memref<16384xf32, #tpu.memory_space<hbm>>
    tpu.wait_dma2 semaphore(%arg12 : memref<!tpu.dma_semaphore, #tpu.memory_space<semaphore_mem>>) src(%arg8 : memref<16384xf32, #tpu.memory_space<vmem>>) dst(%dma_wait3A_45 : memref<16384xf32, #tpu.memory_space<hbm>>)
    %parallel_loop3A_46 = arith.constant 0 : i32
    %parallel_loop3A_47 = arith.constant 16384 : i32
    %parallel_loop3A_48 = arith.constant 16 : i32
    scf.for %parallel_loop3A_152 = %parallel_loop3A_46 to %parallel_loop3A_47 step %parallel_loop3A_48  : i32 {
      %parallel_loop3A_153 = arith.index_cast %parallel_loop3A_152 : i32 to index
      %parallel_loop3A_154 = tpu.vector_load %arg6[%parallel_loop3A_153] {strides = array<i32>} : memref<16384xi32, #tpu.memory_space<vmem>>, vector<16xi32>,
      %parallel_loop3A_155 = tpu.vector_load_idx %arg5[%parallel_loop3A_154] : memref<119xf32, #tpu.memory_space<vmem>>[vector<16xi32>], vector<16xf32>,
      %parallel_loop3A_156 = arith.index_cast %parallel_loop3A_152 : i32 to index
      %parallel_loop3A_157 = tpu.vector_load %arg8[%parallel_loop3A_156] {strides = array<i32>} : memref<16384xf32, #tpu.memory_space<vmem>>, vector<16xf32>,
      tpu.vector_store %arg8[%parallel_loop3A_156], %parallel_loop3A_155 {strides = array<i32>} : memref<16384xf32, #tpu.memory_space<vmem>>, vector<16xf32>,
    } {sc.loop_unroll_factor = 8 : i64, sc.parallel_access}
    %add3A_49 = arith.constant 32768 : i32
    %add3A_50 = arith.addi %mul3A_2, %add3A_49 : i32
    %dma_start3A_51 = tpu.memref_slice %arg4[%add3A_50] : memref<4194304xf32, #tpu.memory_space<hbm>> -> memref<16384xf32, #tpu.memory_space<hbm>>
    %dma_start3A_52 = tpu.memref_slice %arg4[%add3A_50] : memref<4194304xf32, #tpu.memory_space<hbm>> -> memref<16384xf32, #tpu.memory_space<hbm>>
    tpu.enqueue_dma source(%arg8 : memref<16384xf32, #tpu.memory_space<vmem>>) target(%dma_start3A_52 : memref<16384xf32, #tpu.memory_space<hbm>>) target_semaphore(%arg12 : memref<!tpu.dma_semaphore, #tpu.memory_space<semaphore_mem>>)
    %add3A_53 = arith.constant 65536 : i32
    %add3A_54 = arith.addi %mul3A_2, %add3A_53 : i32
    %dma_start3A_55 = tpu.memref_slice %arg2[%add3A_54] : memref<4194304xi32, #tpu.memory_space<hbm>> -> memref<16384xi32, #tpu.memory_space<hbm>>
    %dma_start3A_56 = tpu.memref_slice %arg2[%add3A_54] : memref<4194304xi32, #tpu.memory_space<hbm>> -> memref<16384xi32, #tpu.memory_space<hbm>>
    tpu.enqueue_dma source(%dma_start3A_56 : memref<16384xi32, #tpu.memory_space<hbm>>) target(%arg6 : memref<16384xi32, #tpu.memory_space<vmem>>) target_semaphore(%arg10 : memref<!tpu.dma_semaphore, #tpu.memory_space<semaphore_mem>>)
    %add3A_57 = arith.constant 49152 : i32
    %add3A_58 = arith.addi %mul3A_2, %add3A_57 : i32
    %dma_wait3A_59 = tpu.memref_slice %arg2[%add3A_58] : memref<4194304xi32, #tpu.memory_space<hbm>> -> memref<16384xi32, #tpu.memory_space<hbm>>
    %dma_wait3A_60 = tpu.memref_slice %arg2[%add3A_58] : memref<4194304xi32, #tpu.memory_space<hbm>> -> memref<16384xi32, #tpu.memory_space<hbm>>
    tpu.wait_dma2 semaphore(%arg11 : memref<!tpu.dma_semaphore, #tpu.memory_space<semaphore_mem>>) src(%dma_wait3A_60 : memref<16384xi32, #tpu.memory_space<hbm>>) dst(%arg7 : memref<16384xi32, #tpu.memory_space<vmem>>)
    %add3A_61 = arith.constant 16384 : i32
    %add3A_62 = arith.addi %mul3A_2, %add3A_61 : i32
    %dma_wait3A_63 = tpu.memref_slice %arg4[%add3A_62] : memref<4194304xf32, #tpu.memory_space<hbm>> -> memref<16384xf32, #tpu.memory_space<hbm>>
    %dma_wait3A_64 = tpu.memref_slice %arg4[%add3A_62] : memref<4194304xf32, #tpu.memory_space<hbm>> -> memref<16384xf32, #tpu.memory_space<hbm>>
    tpu.wait_dma2 semaphore(%arg13 : memref<!tpu.dma_semaphore, #tpu.memory_space<semaphore_mem>>) src(%arg9 : memref<16384xf32, #tpu.memory_space<vmem>>) dst(%dma_wait3A_64 : memref<16384xf32, #tpu.memory_space<hbm>>)
    %parallel_loop3A_65 = arith.constant 0 : i32
    %parallel_loop3A_66 = arith.constant 16384 : i32
    %parallel_loop3A_67 = arith.constant 16 : i32
    scf.for %parallel_loop3A_152 = %parallel_loop3A_65 to %parallel_loop3A_66 step %parallel_loop3A_67  : i32 {
      %parallel_loop3A_153 = arith.index_cast %parallel_loop3A_152 : i32 to index
      %parallel_loop3A_154 = tpu.vector_load %arg7[%parallel_loop3A_153] {strides = array<i32>} : memref<16384xi32, #tpu.memory_space<vmem>>, vector<16xi32>,
      %parallel_loop3A_155 = tpu.vector_load_idx %arg5[%parallel_loop3A_154] : memref<119xf32, #tpu.memory_space<vmem>>[vector<16xi32>], vector<16xf32>,
      %parallel_loop3A_156 = arith.index_cast %parallel_loop3A_152 : i32 to index
      %parallel_loop3A_157 = tpu.vector_load %arg9[%parallel_loop3A_156] {strides = array<i32>} : memref<16384xf32, #tpu.memory_space<vmem>>, vector<16xf32>,
      tpu.vector_store %arg9[%parallel_loop3A_156], %parallel_loop3A_155 {strides = array<i32>} : memref<16384xf32, #tpu.memory_space<vmem>>, vector<16xf32>,
    } {sc.loop_unroll_factor = 8 : i64, sc.parallel_access}
    %add3A_68 = arith.constant 49152 : i32
    %add3A_69 = arith.addi %mul3A_2, %add3A_68 : i32
    %dma_start3A_70 = tpu.memref_slice %arg4[%add3A_69] : memref<4194304xf32, #tpu.memory_space<hbm>> -> memref<16384xf32, #tpu.memory_space<hbm>>
    %dma_start3A_71 = tpu.memref_slice %arg4[%add3A_69] : memref<4194304xf32, #tpu.memory_space<hbm>> -> memref<16384xf32, #tpu.memory_space<hbm>>
    tpu.enqueue_dma source(%arg9 : memref<16384xf32, #tpu.memory_space<vmem>>) target(%dma_start3A_71 : memref<16384xf32, #tpu.memory_space<hbm>>) target_semaphore(%arg13 : memref<!tpu.dma_semaphore, #tpu.memory_space<semaphore_mem>>)
    %add3A_72 = arith.constant 81920 : i32
    %add3A_73 = arith.addi %mul3A_2, %add3A_72 : i32
    %dma_start3A_74 = tpu.memref_slice %arg2[%add3A_73] : memref<4194304xi32, #tpu.memory_space<hbm>> -> memref<16384xi32, #tpu.memory_space<hbm>>
    %dma_start3A_75 = tpu.memref_slice %arg2[%add3A_73] : memref<4194304xi32, #tpu.memory_space<hbm>> -> memref<16384xi32, #tpu.memory_space<hbm>>
    tpu.enqueue_dma source(%dma_start3A_75 : memref<16384xi32, #tpu.memory_space<hbm>>) target(%arg7 : memref<16384xi32, #tpu.memory_space<vmem>>) target_semaphore(%arg11 : memref<!tpu.dma_semaphore, #tpu.memory_space<semaphore_mem>>)
    %add3A_76 = arith.constant 65536 : i32
    %add3A_77 = arith.addi %mul3A_2, %add3A_76 : i32
    %dma_wait3A_78 = tpu.memref_slice %arg2[%add3A_77] : memref<4194304xi32, #tpu.memory_space<hbm>> -> memref<16384xi32, #tpu.memory_space<hbm>>
    %dma_wait3A_79 = tpu.memref_slice %arg2[%add3A_77] : memref<4194304xi32, #tpu.memory_space<hbm>> -> memref<16384xi32, #tpu.memory_space<hbm>>
    tpu.wait_dma2 semaphore(%arg10 : memref<!tpu.dma_semaphore, #tpu.memory_space<semaphore_mem>>) src(%dma_wait3A_79 : memref<16384xi32, #tpu.memory_space<hbm>>) dst(%arg6 : memref<16384xi32, #tpu.memory_space<vmem>>)
    %add3A_80 = arith.constant 32768 : i32
    %add3A_81 = arith.addi %mul3A_2, %add3A_80 : i32
    %dma_wait3A_82 = tpu.memref_slice %arg4[%add3A_81] : memref<4194304xf32, #tpu.memory_space<hbm>> -> memref<16384xf32, #tpu.memory_space<hbm>>
    %dma_wait3A_83 = tpu.memref_slice %arg4[%add3A_81] : memref<4194304xf32, #tpu.memory_space<hbm>> -> memref<16384xf32, #tpu.memory_space<hbm>>
    tpu.wait_dma2 semaphore(%arg12 : memref<!tpu.dma_semaphore, #tpu.memory_space<semaphore_mem>>) src(%arg8 : memref<16384xf32, #tpu.memory_space<vmem>>) dst(%dma_wait3A_83 : memref<16384xf32, #tpu.memory_space<hbm>>)
    %parallel_loop3A_84 = arith.constant 0 : i32
    %parallel_loop3A_85 = arith.constant 16384 : i32
    %parallel_loop3A_86 = arith.constant 16 : i32
    scf.for %parallel_loop3A_152 = %parallel_loop3A_84 to %parallel_loop3A_85 step %parallel_loop3A_86  : i32 {
      %parallel_loop3A_153 = arith.index_cast %parallel_loop3A_152 : i32 to index
      %parallel_loop3A_154 = tpu.vector_load %arg6[%parallel_loop3A_153] {strides = array<i32>} : memref<16384xi32, #tpu.memory_space<vmem>>, vector<16xi32>,
      %parallel_loop3A_155 = tpu.vector_load_idx %arg5[%parallel_loop3A_154] : memref<119xf32, #tpu.memory_space<vmem>>[vector<16xi32>], vector<16xf32>,
      %parallel_loop3A_156 = arith.index_cast %parallel_loop3A_152 : i32 to index
      %parallel_loop3A_157 = tpu.vector_load %arg8[%parallel_loop3A_156] {strides = array<i32>} : memref<16384xf32, #tpu.memory_space<vmem>>, vector<16xf32>,
      tpu.vector_store %arg8[%parallel_loop3A_156], %parallel_loop3A_155 {strides = array<i32>} : memref<16384xf32, #tpu.memory_space<vmem>>, vector<16xf32>,
    } {sc.loop_unroll_factor = 8 : i64, sc.parallel_access}
    %add3A_87 = arith.constant 65536 : i32
    %add3A_88 = arith.addi %mul3A_2, %add3A_87 : i32
    %dma_start3A_89 = tpu.memref_slice %arg4[%add3A_88] : memref<4194304xf32, #tpu.memory_space<hbm>> -> memref<16384xf32, #tpu.memory_space<hbm>>
    %dma_start3A_90 = tpu.memref_slice %arg4[%add3A_88] : memref<4194304xf32, #tpu.memory_space<hbm>> -> memref<16384xf32, #tpu.memory_space<hbm>>
    tpu.enqueue_dma source(%arg8 : memref<16384xf32, #tpu.memory_space<vmem>>) target(%dma_start3A_90 : memref<16384xf32, #tpu.memory_space<hbm>>) target_semaphore(%arg12 : memref<!tpu.dma_semaphore, #tpu.memory_space<semaphore_mem>>)
    %add3A_91 = arith.constant 98304 : i32
    %add3A_92 = arith.addi %mul3A_2, %add3A_91 : i32
    %dma_start3A_93 = tpu.memref_slice %arg2[%add3A_92] : memref<4194304xi32, #tpu.memory_space<hbm>> -> memref<16384xi32, #tpu.memory_space<hbm>>
    %dma_start3A_94 = tpu.memref_slice %arg2[%add3A_92] : memref<4194304xi32, #tpu.memory_space<hbm>> -> memref<16384xi32, #tpu.memory_space<hbm>>
    tpu.enqueue_dma source(%dma_start3A_94 : memref<16384xi32, #tpu.memory_space<hbm>>) target(%arg6 : memref<16384xi32, #tpu.memory_space<vmem>>) target_semaphore(%arg10 : memref<!tpu.dma_semaphore, #tpu.memory_space<semaphore_mem>>)
    %add3A_95 = arith.constant 81920 : i32
    %add3A_96 = arith.addi %mul3A_2, %add3A_95 : i32
    %dma_wait3A_97 = tpu.memref_slice %arg2[%add3A_96] : memref<4194304xi32, #tpu.memory_space<hbm>> -> memref<16384xi32, #tpu.memory_space<hbm>>
    %dma_wait3A_98 = tpu.memref_slice %arg2[%add3A_96] : memref<4194304xi32, #tpu.memory_space<hbm>> -> memref<16384xi32, #tpu.memory_space<hbm>>
    tpu.wait_dma2 semaphore(%arg11 : memref<!tpu.dma_semaphore, #tpu.memory_space<semaphore_mem>>) src(%dma_wait3A_98 : memref<16384xi32, #tpu.memory_space<hbm>>) dst(%arg7 : memref<16384xi32, #tpu.memory_space<vmem>>)
    %add3A_99 = arith.constant 49152 : i32
    %add3A_100 = arith.addi %mul3A_2, %add3A_99 : i32
    %dma_wait3A_101 = tpu.memref_slice %arg4[%add3A_100] : memref<4194304xf32, #tpu.memory_space<hbm>> -> memref<16384xf32, #tpu.memory_space<hbm>>
    %dma_wait3A_102 = tpu.memref_slice %arg4[%add3A_100] : memref<4194304xf32, #tpu.memory_space<hbm>> -> memref<16384xf32, #tpu.memory_space<hbm>>
    tpu.wait_dma2 semaphore(%arg13 : memref<!tpu.dma_semaphore, #tpu.memory_space<semaphore_mem>>) src(%arg9 : memref<16384xf32, #tpu.memory_space<vmem>>) dst(%dma_wait3A_102 : memref<16384xf32, #tpu.memory_space<hbm>>)
    %parallel_loop3A_103 = arith.constant 0 : i32
    %parallel_loop3A_104 = arith.constant 16384 : i32
    %parallel_loop3A_105 = arith.constant 16 : i32
    scf.for %parallel_loop3A_152 = %parallel_loop3A_103 to %parallel_loop3A_104 step %parallel_loop3A_105  : i32 {
      %parallel_loop3A_153 = arith.index_cast %parallel_loop3A_152 : i32 to index
      %parallel_loop3A_154 = tpu.vector_load %arg7[%parallel_loop3A_153] {strides = array<i32>} : memref<16384xi32, #tpu.memory_space<vmem>>, vector<16xi32>,
      %parallel_loop3A_155 = tpu.vector_load_idx %arg5[%parallel_loop3A_154] : memref<119xf32, #tpu.memory_space<vmem>>[vector<16xi32>], vector<16xf32>,
      %parallel_loop3A_156 = arith.index_cast %parallel_loop3A_152 : i32 to index
      %parallel_loop3A_157 = tpu.vector_load %arg9[%parallel_loop3A_156] {strides = array<i32>} : memref<16384xf32, #tpu.memory_space<vmem>>, vector<16xf32>,
      tpu.vector_store %arg9[%parallel_loop3A_156], %parallel_loop3A_155 {strides = array<i32>} : memref<16384xf32, #tpu.memory_space<vmem>>, vector<16xf32>,
    } {sc.loop_unroll_factor = 8 : i64, sc.parallel_access}
    %add3A_106 = arith.constant 81920 : i32
    %add3A_107 = arith.addi %mul3A_2, %add3A_106 : i32
    %dma_start3A_108 = tpu.memref_slice %arg4[%add3A_107] : memref<4194304xf32, #tpu.memory_space<hbm>> -> memref<16384xf32, #tpu.memory_space<hbm>>
    %dma_start3A_109 = tpu.memref_slice %arg4[%add3A_107] : memref<4194304xf32, #tpu.memory_space<hbm>> -> memref<16384xf32, #tpu.memory_space<hbm>>
    tpu.enqueue_dma source(%arg9 : memref<16384xf32, #tpu.memory_space<vmem>>) target(%dma_start3A_109 : memref<16384xf32, #tpu.memory_space<hbm>>) target_semaphore(%arg13 : memref<!tpu.dma_semaphore, #tpu.memory_space<semaphore_mem>>)
    %add3A_110 = arith.constant 114688 : i32
    %add3A_111 = arith.addi %mul3A_2, %add3A_110 : i32
    %dma_start3A_112 = tpu.memref_slice %arg2[%add3A_111] : memref<4194304xi32, #tpu.memory_space<hbm>> -> memref<16384xi32, #tpu.memory_space<hbm>>
    %dma_start3A_113 = tpu.memref_slice %arg2[%add3A_111] : memref<4194304xi32, #tpu.memory_space<hbm>> -> memref<16384xi32, #tpu.memory_space<hbm>>
    tpu.enqueue_dma source(%dma_start3A_113 : memref<16384xi32, #tpu.memory_space<hbm>>) target(%arg7 : memref<16384xi32, #tpu.memory_space<vmem>>) target_semaphore(%arg11 : memref<!tpu.dma_semaphore, #tpu.memory_space<semaphore_mem>>)
    %add3A_114 = arith.constant 98304 : i32
    %add3A_115 = arith.addi %mul3A_2, %add3A_114 : i32
    %dma_wait3A_116 = tpu.memref_slice %arg2[%add3A_115] : memref<4194304xi32, #tpu.memory_space<hbm>> -> memref<16384xi32, #tpu.memory_space<hbm>>
    %dma_wait3A_117 = tpu.memref_slice %arg2[%add3A_115] : memref<4194304xi32, #tpu.memory_space<hbm>> -> memref<16384xi32, #tpu.memory_space<hbm>>
    tpu.wait_dma2 semaphore(%arg10 : memref<!tpu.dma_semaphore, #tpu.memory_space<semaphore_mem>>) src(%dma_wait3A_117 : memref<16384xi32, #tpu.memory_space<hbm>>) dst(%arg6 : memref<16384xi32, #tpu.memory_space<vmem>>)
    %add3A_118 = arith.constant 65536 : i32
    %add3A_119 = arith.addi %mul3A_2, %add3A_118 : i32
    %dma_wait3A_120 = tpu.memref_slice %arg4[%add3A_119] : memref<4194304xf32, #tpu.memory_space<hbm>> -> memref<16384xf32, #tpu.memory_space<hbm>>
    %dma_wait3A_121 = tpu.memref_slice %arg4[%add3A_119] : memref<4194304xf32, #tpu.memory_space<hbm>> -> memref<16384xf32, #tpu.memory_space<hbm>>
    tpu.wait_dma2 semaphore(%arg12 : memref<!tpu.dma_semaphore, #tpu.memory_space<semaphore_mem>>) src(%arg8 : memref<16384xf32, #tpu.memory_space<vmem>>) dst(%dma_wait3A_121 : memref<16384xf32, #tpu.memory_space<hbm>>)
    %parallel_loop3A_122 = arith.constant 0 : i32
    %parallel_loop3A_123 = arith.constant 16384 : i32
    %parallel_loop3A_124 = arith.constant 16 : i32
    scf.for %parallel_loop3A_152 = %parallel_loop3A_122 to %parallel_loop3A_123 step %parallel_loop3A_124  : i32 {
      %parallel_loop3A_153 = arith.index_cast %parallel_loop3A_152 : i32 to index
      %parallel_loop3A_154 = tpu.vector_load %arg6[%parallel_loop3A_153] {strides = array<i32>} : memref<16384xi32, #tpu.memory_space<vmem>>, vector<16xi32>,
      %parallel_loop3A_155 = tpu.vector_load_idx %arg5[%parallel_loop3A_154] : memref<119xf32, #tpu.memory_space<vmem>>[vector<16xi32>], vector<16xf32>,
      %parallel_loop3A_156 = arith.index_cast %parallel_loop3A_152 : i32 to index
      %parallel_loop3A_157 = tpu.vector_load %arg8[%parallel_loop3A_156] {strides = array<i32>} : memref<16384xf32, #tpu.memory_space<vmem>>, vector<16xf32>,
      tpu.vector_store %arg8[%parallel_loop3A_156], %parallel_loop3A_155 {strides = array<i32>} : memref<16384xf32, #tpu.memory_space<vmem>>, vector<16xf32>,
    } {sc.loop_unroll_factor = 8 : i64, sc.parallel_access}
    %add3A_125 = arith.constant 98304 : i32
    %add3A_126 = arith.addi %mul3A_2, %add3A_125 : i32
    %dma_start3A_127 = tpu.memref_slice %arg4[%add3A_126] : memref<4194304xf32, #tpu.memory_space<hbm>> -> memref<16384xf32, #tpu.memory_space<hbm>>
    %dma_start3A_128 = tpu.memref_slice %arg4[%add3A_126] : memref<4194304xf32, #tpu.memory_space<hbm>> -> memref<16384xf32, #tpu.memory_space<hbm>>
    tpu.enqueue_dma source(%arg8 : memref<16384xf32, #tpu.memory_space<vmem>>) target(%dma_start3A_128 : memref<16384xf32, #tpu.memory_space<hbm>>) target_semaphore(%arg12 : memref<!tpu.dma_semaphore, #tpu.memory_space<semaphore_mem>>)
    %add3A_129 = arith.constant 114688 : i32
    %add3A_130 = arith.addi %mul3A_2, %add3A_129 : i32
    %dma_wait3A_131 = tpu.memref_slice %arg2[%add3A_130] : memref<4194304xi32, #tpu.memory_space<hbm>> -> memref<16384xi32, #tpu.memory_space<hbm>>
    %dma_wait3A_132 = tpu.memref_slice %arg2[%add3A_130] : memref<4194304xi32, #tpu.memory_space<hbm>> -> memref<16384xi32, #tpu.memory_space<hbm>>
    tpu.wait_dma2 semaphore(%arg11 : memref<!tpu.dma_semaphore, #tpu.memory_space<semaphore_mem>>) src(%dma_wait3A_132 : memref<16384xi32, #tpu.memory_space<hbm>>) dst(%arg7 : memref<16384xi32, #tpu.memory_space<vmem>>)
    %add3A_133 = arith.constant 81920 : i32
    %add3A_134 = arith.addi %mul3A_2, %add3A_133 : i32
    %dma_wait3A_135 = tpu.memref_slice %arg4[%add3A_134] : memref<4194304xf32, #tpu.memory_space<hbm>> -> memref<16384xf32, #tpu.memory_space<hbm>>
    %dma_wait3A_136 = tpu.memref_slice %arg4[%add3A_134] : memref<4194304xf32, #tpu.memory_space<hbm>> -> memref<16384xf32, #tpu.memory_space<hbm>>
    tpu.wait_dma2 semaphore(%arg13 : memref<!tpu.dma_semaphore, #tpu.memory_space<semaphore_mem>>) src(%arg9 : memref<16384xf32, #tpu.memory_space<vmem>>) dst(%dma_wait3A_136 : memref<16384xf32, #tpu.memory_space<hbm>>)
    %parallel_loop3A_137 = arith.constant 0 : i32
    %parallel_loop3A_138 = arith.constant 16384 : i32
    %parallel_loop3A_139 = arith.constant 16 : i32
    scf.for %parallel_loop3A_152 = %parallel_loop3A_137 to %parallel_loop3A_138 step %parallel_loop3A_139  : i32 {
      %parallel_loop3A_153 = arith.index_cast %parallel_loop3A_152 : i32 to index
      %parallel_loop3A_154 = tpu.vector_load %arg7[%parallel_loop3A_153] {strides = array<i32>} : memref<16384xi32, #tpu.memory_space<vmem>>, vector<16xi32>,
      %parallel_loop3A_155 = tpu.vector_load_idx %arg5[%parallel_loop3A_154] : memref<119xf32, #tpu.memory_space<vmem>>[vector<16xi32>], vector<16xf32>,
      %parallel_loop3A_156 = arith.index_cast %parallel_loop3A_152 : i32 to index
      %parallel_loop3A_157 = tpu.vector_load %arg9[%parallel_loop3A_156] {strides = array<i32>} : memref<16384xf32, #tpu.memory_space<vmem>>, vector<16xf32>,
      tpu.vector_store %arg9[%parallel_loop3A_156], %parallel_loop3A_155 {strides = array<i32>} : memref<16384xf32, #tpu.memory_space<vmem>>, vector<16xf32>,
    } {sc.loop_unroll_factor = 8 : i64, sc.parallel_access}
    %add3A_140 = arith.constant 114688 : i32
    %add3A_141 = arith.addi %mul3A_2, %add3A_140 : i32
    %dma_start3A_142 = tpu.memref_slice %arg4[%add3A_141] : memref<4194304xf32, #tpu.memory_space<hbm>> -> memref<16384xf32, #tpu.memory_space<hbm>>
    %dma_start3A_143 = tpu.memref_slice %arg4[%add3A_141] : memref<4194304xf32, #tpu.memory_space<hbm>> -> memref<16384xf32, #tpu.memory_space<hbm>>
    tpu.enqueue_dma source(%arg9 : memref<16384xf32, #tpu.memory_space<vmem>>) target(%dma_start3A_143 : memref<16384xf32, #tpu.memory_space<hbm>>) target_semaphore(%arg13 : memref<!tpu.dma_semaphore, #tpu.memory_space<semaphore_mem>>)
    %add3A_144 = arith.constant 98304 : i32
    %add3A_145 = arith.addi %mul3A_2, %add3A_144 : i32
    %dma_wait3A_146 = tpu.memref_slice %arg4[%add3A_145] : memref<4194304xf32, #tpu.memory_space<hbm>> -> memref<16384xf32, #tpu.memory_space<hbm>>
    %dma_wait3A_147 = tpu.memref_slice %arg4[%add3A_145] : memref<4194304xf32, #tpu.memory_space<hbm>> -> memref<16384xf32, #tpu.memory_space<hbm>>
    tpu.wait_dma2 semaphore(%arg12 : memref<!tpu.dma_semaphore, #tpu.memory_space<semaphore_mem>>) src(%arg8 : memref<16384xf32, #tpu.memory_space<vmem>>) dst(%dma_wait3A_147 : memref<16384xf32, #tpu.memory_space<hbm>>)
    %add3A_148 = arith.constant 114688 : i32
    %add3A_149 = arith.addi %mul3A_2, %add3A_148 : i32
    %dma_wait3A_150 = tpu.memref_slice %arg4[%add3A_149] : memref<4194304xf32, #tpu.memory_space<hbm>> -> memref<16384xf32, #tpu.memory_space<hbm>>
    %dma_wait3A_151 = tpu.memref_slice %arg4[%add3A_149] : memref<4194304xf32, #tpu.memory_space<hbm>> -> memref<16384xf32, #tpu.memory_space<hbm>>
    tpu.wait_dma2 semaphore(%arg13 : memref<!tpu.dma_semaphore, #tpu.memory_space<semaphore_mem>>) src(%arg9 : memref<16384xf32, #tpu.memory_space<vmem>>) dst(%dma_wait3A_151 : memref<16384xf32, #tpu.memory_space<hbm>>)
    return
  }
}

</mosaic_0001>

<sc_bundles>
// kernel: kernel.3.cloned.1.call-start
scs
__scs_entry_jumppad:
0x0: {  	(pc) =	sbr.rel $0x88, $3  }
0x1: {  	(tag) =	ssettag $0x0;
	lr =	simm.s32 $0x1  }
0x2: {  	[smem:$0x3F9F] =	sst lr;
	_ =	strace $0xD0000000  }
0x3: {  	_ = 	snop  }
0x4: {  	_ = 	snop  }
0x5: {  	_ = 	snop  }
0x6: {  	_ = 	snop  }
0x7: {  	_ = 	snop  }
__scs_overlays_trampoline_lowered:
0x8: {  	[smem:$0x3FAE] =	sst s0  }
0x9: {  	[smem:$0x3FAF] =	sst s1  }
0xa: {  	[smem:$0x3FB0] =	sst s2  }
0xb: {  	[smem:$0x3FB1] =	sst s3  }
0xc: {  	[smem:$0x3FB2] =	sst s4  }
0xd: {  	[smem:$0x3FB3] =	sst s5  }
0xe: {  	[smem:$0x3FB4] =	sst s6  }
0xf: {  	[smem:$0x3FB5] =	sst s7  }
0x10: {  	[smem:$0x3FB6] =	sst s8  }
0x11: {  	[smem:$0x3FB7] =	sst s9;
	s0 =	simm.s32 @!p0 $0x0  }
0x12: {  	s1 =	sld [smem:$0x3F9D];
	s0 =	simm.s32 @p0 $0x1  }
0x13: {  	[smem:$0x3FB8] =	sst s0;
	s0 =	simm.s32 @!p1 $0x0  }
0x14: {  	s2 =	sld [smem:$0x3F9C];
	s0 =	simm.s32 @p1 $0x1  }
0x15: {  	[smem:$0x3FB9] =	sst s0;
	s0 =	simm.s32 @!p2 $0x0  }
0x16: {  	s3 =	sld [smem:$0x3FDB];
	s0 =	simm.s32 @p2 $0x1  }
0x17: {  	s4 =	simm.s32 $0x1BF5;
	[smem:$0x3FBB] =	sst s0  }
0x18: {  	s0 =	sld [smem:$0x3F9E];
	_ =	swait.ge [sflag:s4], $0x0  }
0x19: {  	s7 =	sld [smem:$0x3F9F]  }
0x1a: {  	s8 =	sadd.s32 $0xFFFFE003, lr  }
0x1b: {  	s9 =	sadd.s32 $0xFFFFFEF7, lr;
	s5 =	simm.s32 $0xFFFFFFFF;
	p2 =	slt.u32 s8, $0xFFFFF086  }
0x1c: {  	p1 =	slt.u32 s9, $0xF7A;
	s5 =	simm.s32 @!p2 $0x0  }
0x1d: {  	s5 =	simm.s32 @p1 $0x1;
	p0 =	seq.s32 s7, s2  }
0x1e: {  	s7 =	smul.u32 @!p0 $0xF7A, s2;
	p2 =	seq.s32 @!p0 s5, $0x0  }
0x1f: {  	s9 =	smul.u32 $0xF7A, s1;
	s8 =	simm.s32 @!p0 $0x1BF5;
	p2 =	por !p2, p0  }
0x20: {  	[sflag:s8] =	ssyncset.s32 @!p0 $0xFFFFF086;
	s6 =	sadd.s32 @!p0 s3, s7;
	s7 =	simm.s32 @!p0 $0x108  }
0x21: {  	s3 =	sadd.s32 s3, s9;
	s6 =	sadd.s32 @!p0 $0x88, s6;
	s7 =	simm.s32 @p2 $0x1082  }
0x22: {  	[simem:s7], [sflag:s8] =	dma.local @!p0 [hbm:s6], $0xF7A  }
0x23: {  	s9 =	sor.u32 $0xD0000000, s2;
	s6 =	simm.s32 $0x108;
	_ =	swait.ge @!p0 [sflag:s8], $0x0  }
0x24: {  	s3 =	sadd.s32 $0x88, s3;
	s6 =	simm.s32 @!p1 $0x1082;
	[sflag:s4] =	ssyncset.s32 $0xFFFFF086  }
0x25: {  	[simem:s6], [sflag:s4] =	dma.local [hbm:s3], $0xF7A  }
0x26: {  	[smem:$0x3F9F] =	sst s1;
	(tag) =	ssettag s2;
	_ =	strace s9  }
0x27: {  	s1 =	sld [smem:$0x3FAF]  }
0x28: {  	s2 =	sld [smem:$0x3FB0]  }
0x29: {  	s4 =	sld [smem:$0x3FB2]  }
0x2a: {  	p0 =	seq.s32 s5, $0x0;
	s5 =	sld [smem:$0x3FB3]  }
0x2b: {  	s6 =	sld [smem:$0x3FB4]  }
0x2c: {  	s7 =	sld [smem:$0x3FB5]  }
0x2d: {  	s3 =	simm.s32 $0x108;
	s8 =	sld [smem:$0x3FB6]  }
0x2e: {  	s3 =	simm.s32 @!p0 $0x1082;
	s9 =	sld [smem:$0x3FB7]  }
0x2f: {  	lr =	sadd.s32 s0, s3;
	s0 =	sld [smem:$0x3FAE]  }
0x30: {  	s3 =	sld [smem:$0x3FB1]  }
0x31: {  	[smem:$0x3FBA] =	sst s10  }
0x32: {  	s10 =	sld [smem:$0x3FB8];
	_ =	sdelay $0x3  }
0x33: {  	p0 =	seq.s32 s10, $0x1;
	s10 =	sld [smem:$0x3FBA];
	_ =	sdelay $0x3  }
0x34: {  	[smem:$0x3FBA] =	sst s10  }
0x35: {  	s10 =	sld [smem:$0x3FB9];
	_ =	sdelay $0x3  }
0x36: {  	p1 =	seq.s32 s10, $0x1;
	s10 =	sld [smem:$0x3FBA];
	_ =	sdelay $0x3  }
0x37: {  	[smem:$0x3FBA] =	sst s10  }
0x38: {  	s10 =	sld [smem:$0x3FBB]  }
0x39: {  	_ = 	snop;
	(pc) =	sbr.ind lr, $3  }
0x3a: {  	_ = 	snop  }
0x3b: {  	_ = 	snop  }
0x3c: {  	p2 =	seq.s32 s10, $0x1;
	s10 =	sld [smem:$0x3FBA]  }
0x3d: {  	_ =	shalt  }
0x3e: {  	_ =	shalt  }
0x3f: {  	_ =	shalt  }
0x40: {  	_ =	shalt  }
0x41: {  	_ =	shalt  }
0x42: {  	_ =	shalt  }
0x43: {  	_ =	shalt  }
0x44: {  	_ =	shalt  }
0x45: {  	_ =	shalt  }
0x46: {  	_ =	shalt  }
0x47: {  	_ =	shalt  }
0x48: {  	_ =	shalt  }
0x49: {  	_ =	shalt  }
0x4a: {  	_ =	shalt  }
0x4b: {  	_ =	shalt  }
0x4c: {  	_ =	shalt  }
0x4d: {  	_ =	shalt  }
0x4e: {  	_ =	shalt  }
0x4f: {  	_ =	shalt  }
0x50: {  	_ =	shalt  }
0x51: {  	_ =	shalt  }
0x52: {  	_ =	shalt  }
0x53: {  	_ =	shalt  }
0x54: {  	_ =	shalt  }
0x55: {  	_ =	shalt  }
0x56: {  	_ =	shalt  }
0x57: {  	_ =	shalt  }
0x58: {  	_ =	shalt  }
0x59: {  	_ =	shalt  }
0x5a: {  	_ =	shalt  }
0x5b: {  	_ =	shalt  }
0x5c: {  	_ =	shalt  }
0x5d: {  	_ =	shalt  }
0x5e: {  	_ =	shalt  }
0x5f: {  	_ =	shalt  }
0x60: {  	_ =	shalt  }
0x61: {  	_ =	shalt  }
0x62: {  	_ =	shalt  }
0x63: {  	_ =	shalt  }
0x64: {  	_ =	shalt  }
0x65: {  	_ =	shalt  }
0x66: {  	_ =	shalt  }
0x67: {  	_ =	shalt  }
0x68: {  	_ =	shalt  }
0x69: {  	_ =	shalt  }
0x6a: {  	_ =	shalt  }
0x6b: {  	_ =	shalt  }
0x6c: {  	_ =	shalt  }
0x6d: {  	_ =	shalt  }
0x6e: {  	_ =	shalt  }
0x6f: {  	_ =	shalt  }
0x70: {  	_ =	shalt  }
0x71: {  	_ =	shalt  }
0x72: {  	_ =	shalt  }
0x73: {  	_ =	shalt  }
0x74: {  	_ =	shalt  }
0x75: {  	_ =	shalt  }
0x76: {  	_ =	shalt  }
0x77: {  	_ =	shalt  }
0x78: {  	_ =	shalt  }
0x79: {  	_ =	shalt  }
0x7a: {  	_ =	shalt  }
0x7b: {  	_ =	shalt  }
0x7c: {  	_ =	shalt  }
0x7d: {  	_ =	shalt  }
0x7e: {  	_ =	shalt  }
0x7f: {  	_ =	shalt  }
0x80: {  	_ =	shalt  }
0x81: {  	_ =	shalt  }
0x82: {  	_ =	shalt  }
0x83: {  	_ =	shalt  }
0x84: {  	_ =	shalt  }
0x85: {  	_ =	shalt  }
0x86: {  	_ =	shalt  }
0x87: {  	_ =	shalt  }
.Lfunc_end0:
.L_simem_size_0:
called_computation_lowered:
.L_overlay_start_0:
0x88: {  	s2 =	sld [smem:$0x3FD9]  }
0x89: {  	s3 =	sld [smem:$0x3FFE];
	_ =	sdelay $0x1  }
0x8a: {  	s1 =	srdreg.scid  }
0x8b: {  	s0 =	sand.u32 $0x1, s1  }
0x8c: {  	s18 =	sshll.u32 s0, $0xA;
	s2 =	sadd.s32 s3, s2  }
0x8d: {  	s2 =	sadd.s32 s2, s18  }
0x8e: {  	[smem:$0x3FC6] =	sst s2  }
0x8f: {  	_ = 	snop  }
0x90: {  	s2 =	sld [smem:$0x3FC9]  }
0x91: {  	s19 =	sld [smem:$0x3FC8]  }
0x92: {  	s4 =	sld [smem:$0x3FD0];
	(tm) =	ssettm $0x1  }
0x93: {  	s5 =	sld [smem:$0x3FFB];
	_ =	sdelay $0x3  }
0x94: {  	_ =	strace s5  }
0x95: {  	s5 =	sld [smem:$0x3FFC];
	_ =	sdelay $0x3  }
0x96: {  	_ =	strace s5  }
0x97: {  	s5 =	sld [smem:$0x3FFD];
	_ =	sdelay $0x3  }
0x98: {  	_ =	strace s5  }
0x99: {  	_ =	strace $0x8FFFFFFF  }
0x9a: {  	s20 =	sld [smem:$0x3FDB];
	_ =	sdelay $0x1  }
0x9b: {  	s6 =	simm.s32 $_scs_section_size  }
0x9c: {  	s7 =	simm.s32 $_size__tile_overlayer_lowered;
	s8 =	simm.s32 $_tile_overlayer_lowered  }
0x9d: {  	s23 =	simm.s32 $0x1BFF;
	s22 =	sshll.u32 s8, $0x1;
	s5 =	sadd.s32 s6, s20  }
0x9e: {  	s9 =	simm.s32 $0x0;
	s21 =	sshll.u32 s7, $0x1;
	s7 =	sadd.s32 s22, s5  }
0x9f: {  	[timem:s9], [sflag:s23] =	dma.local [hbm:s7], s21  }
0xa0: {  	_ =	swait.ge [sflag:s23], s21  }
0xa1: {  	s6 =	ssub.s32 $0x0, s21;
	[sflag:s23] =	ssyncset.done $0x0  }
0xa2: {  	[sflag:s23] =	ssyncadd.s32 s6;
	_ =	sdelay $0x1  }
0xa3: {  	s24 =	simm.s32 $0x1B8B  }
0xa4: {  	_ =	swait.ge [sflag:s24], $0x1  }
0xa5: {  	[sflag:s24] =	ssyncset.done $0x0  }
0xa6: {  	s25 =	simm.s32 $0x1B8E;
	[sflag:s24] =	ssyncadd.s32 $0xFFFFFFFF  }
0xa7: {  	s26 =	simm.s32 $execute0_lowered;
	[smem:$0x3FD2] =	sst s25  }
0xa8: {  	s6 =	sshll.u32 s26, $0x1;
	_ =	strace $0x80000046;
	[dreg:$0x1] =	wrdreg $0xFFFFFFFF  }
0xa9: {  	s28 =	simm.s32 $_size_execute0_lowered;
	s5 =	sadd.s32 s5, s6;
	[dreg:$0x0] =	wrdreg $0x0  }
0xaa: {  	s6 =	sshll.u32 s28, $0x1;
	[dreg:$0x2] =	wrdreg s5  }
0xab: {  	[dreg:$0x3] =	wrdreg s6  }
0xac: {  	[dreg:$0x4] =	wrdreg $0xC0  }
0xad: {  	_ =	task [dreg:s9], $0x5FFFF  }
0xae: {  	[dreg:$0x1] =	wrdreg $0xFFFFFFFF  }
0xaf: {  	[dreg:$0x0] =	wrdreg $0x60  }
0xb0: {  	[dreg:$0x2] =	wrdreg s2  }
0xb1: {  	[dreg:$0x3] =	wrdreg s19  }
0xb2: {  	[dreg:$0x4] =	wrdreg s4  }
0xb3: {  	[dreg:$0x5] =	wrdreg $0x9  }
0xb4: {  	_ =	task.clear_ibuf [dreg:s9], $0x6FFFF;
	_ =	strace $0x90000046  }
0xb5: {  	s29 =	simm.s32 $0x9;
	_ =	strace $0x80000048  }
0xb6: {  	_ =	swait.ge [sflag:s29], $0x1  }
0xb7: {  	[sflag:s29] =	ssyncadd.s32 $0xFFFFFFFF  }
0xb8: {  	_ =	strace $0x90000048  }
0xb9: {  	_ =	sfence  }
0xba: {  	s30 =	sld [smem:$0x0];
	_ =	sdelay $0x2  }
0xbb: {  	s31 =	sshll.u32 s1, $0xD;
	s1 =	sshrl.u32 s1, $0x2  }
0xbc: {  	s3 =	sand.u32 $0x4000, s31;
	s1 =	sadd.s32 s1, s30  }
0xbd: {  	s0 =	sor.u32 s3, s0;
	s1 =	sshll.u32 s1, $0x11  }
0xbe: {  	s0 =	sor.u32 s1, s0  }
0xbf: {  	s0 =	sadd.s32 $0x8F2B, s0  }
0xc0: {  	[sflag:s0] =	ssyncadd.remote.s32 $0x1  }
0xc1: {  	_ =	sfence.sel $0xFFFF  }
0xc2: {  	[dreg:$0x0] =	wrdreg $0xFFFFFFFF;
	(pc) =	sbr.abs _section_cstart, $3  }
0xc3: {  	[dreg:$0x1] =	wrdreg $0xFFFFFFFF  }
0xc4: {  	_ =	task.clear_ibuf [dreg:s9], $0x2FFFF;
	_ =	strace $0x9FFFFFFF  }
0xc5: {  	(tm) =	ssettm $0x7FFFFFFF  }
tec
execute0_lowered:
.L_overlay_start_1:
0x0: {  	(tag) =	ssettag $0x1  }
0x1: {  	s0 =	rddreg [dreg:$0x0]  }
0x2: {  	s1 =	rddreg [dreg:$0x2];
	s2 =	srdreg.scid  }
0x3: {  	s3 =	simm.s32 $0x0;
	s5 =	stileid.u32;
	s21 =	simm.s32 $0x80  }
0x4: {  	s22 =	simm.s32 $0x4080;
	s23 =	simm.s32 $0x5;
	s24 =	simm.s32 $0x1  }
0x5: {  	s25 =	simm.s32 $0x8080;
	s26 =	simm.s32 $0x2;
	s28 =	simm.s32 $0xC080  }
0x6: {  	s29 =	simm.s32 $0x3;
	s30 =	simm.s32 $0x4;
	s2 =	sand.u32 $0x1, s2  }
0x7: {  	s31 =	simm.s32 $0x0;
	s5 =	sshll.u32 s5, $0xF;
	s4 =	ssub.s32 $0x2, s2  }
0x8: {  	[smem:$0x7FF] =	sst s3;
	s2 =	sshll.u32 s2, $0xE;
	s6 =	sshrl.u32 s4, $0x1  }
0x9: {  	_ =	strace $0x80000047;
	s2 =	sor.u32 s2, s5;
	s20 =	ssub.s32 s4, s6  }
0xa: {  	s8 =	sor.u32 $0x800, s2;
	s4 =	sadd.s32 s0, s2;
	s10 =	sor.u32 $0x1000, s2  }
0xb: {  	s6 =	sadd.s32 s1, s2;
	s12 =	sor.u32 $0x1800, s2;
	s14 =	sor.u32 $0x2000, s2  }
0xc: {  	s16 =	sor.u32 $0x2800, s2;
	s18 =	sor.u32 $0x3000, s2;
	s2 =	sor.u32 $0x3800, s2  }
0xd: {  	s5 =	sadd.s32 s0, s8;
	s7 =	sadd.s32 s0, s10;
	s8 =	sadd.s32 s1, s8  }
0xe: {  	s9 =	sadd.s32 s0, s12;
	s10 =	sadd.s32 s1, s10;
	s11 =	sadd.s32 s0, s14  }
0xf: {  	s12 =	sadd.s32 s1, s12;
	s13 =	sadd.s32 s0, s16;
	s14 =	sadd.s32 s1, s14  }
0x10: {  	s15 =	sadd.s32 s0, s18;
	s16 =	sadd.s32 s1, s16;
	s17 =	sadd.s32 s0, s2  }
0x11: {  	s18 =	sadd.s32 s1, s18;
	s19 =	sadd.s32 s1, s2;
	s20 =	smax.u32 s20, $0x1  }
.LBB2_1:
0x12: {  	[tilespmem:s21], [sflag:$0x1] =	stream.linear.gather [hbm4b:s4+s3], $0x4000, $0x38;
	[tilespmem:$0x10080] =	vst v63  }
0x13: {  	_ = 	snop  }
0x14: {  	[tilespmem:s22], [sflag:$0x2] =	stream.linear.gather [hbm4b:s5+s3], $0x4000, $0x38;
	[tilespmem:$0x10080] =	vst v63  }
0x15: {  	s0 =	rddreg [dreg:$0x1]  }
0x16: {  	[tilespmem:s3], [sflag:$0x5] =	stream.linear.gather [hbm4b:s0+s3], $0x80, $0x38;
	[tilespmem:$0x10080] =	vst v63  }
0x17: {  	_ =	swait.ge [sflag:s23], $0x80  }
0x18: {  	[sflag:s23] =	ssyncset.done $0x0  }
0x19: {  	[sflag:s23] =	ssyncadd.s32 $0xFFFFFF80  }
0x1a: {  	_ =	swait.ge [sflag:s24], $0x4000  }
0x1b: {  	[sflag:s24] =	ssyncset.done $0x0  }
0x1c: {  	s2 =	simm.s32 $0xC0;
	[sflag:s24] =	ssyncadd.s32 $0xFFFFC000  }
0x1d: {  	v0 =	vld [tilespmem:s2+$0x30]  }
0x1e: {  	v1 =	vld [tilespmem:s2+$0xFFFFFFD0]  }
0x1f: {  	v2 =	vld [tilespmem:s2+$0xFFFFFFE0]  }
0x20: {  	v3 =	vld [tilespmem:s2+$0xFFFFFFF0]  }
0x21: {  	v4 =	vld [tilespmem:s2+$0x0]  }
0x22: {  	v6 =	vld [tilespmem:s2+$0x10]  }
0x23: {  	v7 =	vld [tilespmem:s2+$0x20]  }
0x24: {  	v8 =	vld [tilespmem:s2+$0xFFFFFFC0]  }
0x25: {  	v9 =	vld.idx.msk [tilespmem:v0+s3+$0x0], $0xffff  }
0x26: {  	v10 =	vld.idx.msk [tilespmem:v1+s3+$0x0], $0xffff  }
0x27: {  	v5 =	vld.idx.msk [tilespmem:v2+s3+$0x0], $0xffff  }
0x28: {  	v3 =	vld.idx.msk [tilespmem:v3+s3+$0x0], $0xffff  }
0x29: {  	v0 =	vld.idx.msk [tilespmem:v4+s3+$0x0], $0xffff  }
0x2a: {  	s0 =	simm.s32 $0x80C0;
	v1 =	vld.idx.msk [tilespmem:v6+s3+$0x0], $0xffff  }
0x2b: {  	v2 =	vld.idx.msk [tilespmem:v7+s3+$0x0], $0xffff;
	[tilespmem:s0+$0x30] =	vst v9  }
0x2c: {  	s1 =	simm.s32 $0x140;
	s2 =	simm.s32 $0x0;
	v4 =	vld.idx.msk [tilespmem:v8+s3+$0x0], $0xffff;
	[tilespmem:s0+$0xFFFFFFD0] =	vst v10  }
.LBB2_2:
0x2d: {  	v6 =	vld [tilespmem:s1+$0x30];
	s2 =	sadd.s32 $0x80, s2;
	[tilespmem:s0+$0xFFFFFFE0] =	vst v5  }
0x2e: {  	v5 =	vld [tilespmem:s1+$0xFFFFFFD0];
	p0 =	slt.u32 s2, $0x3F80;
	[tilespmem:s0+$0xFFFFFFF0] =	vst v3  }
0x2f: {  	v3 =	vld [tilespmem:s1+$0xFFFFFFE0];
	[tilespmem:s0+$0x0] =	vst v0  }
0x30: {  	v0 =	vld [tilespmem:s1+$0xFFFFFFF0];
	[tilespmem:s0+$0x10] =	vst v1  }
0x31: {  	v1 =	vld [tilespmem:s1+$0x0];
	[tilespmem:s0+$0x20] =	vst v2  }
0x32: {  	v2 =	vld [tilespmem:s1+$0x10];
	[tilespmem:s0+$0xFFFFFFC0] =	vst v4  }
0x33: {  	v4 =	vld [tilespmem:s1+$0x20]  }
0x34: {  	v7 =	vld [tilespmem:s1+$0xFFFFFFC0]  }
0x35: {  	v6 =	vld.idx.msk [tilespmem:v6+s3+$0x0], $0xffff  }
0x36: {  	v8 =	vld.idx.msk [tilespmem:v5+s3+$0x0], $0xffff  }
0x37: {  	v5 =	vld.idx.msk [tilespmem:v3+s3+$0x0], $0xffff  }
.Ltmp0:
0x38: {  	v3 =	vld.idx.msk [tilespmem:v0+s3+$0x0], $0xffff;
	(pc) =	sbr.rel @p0 .LBB2_2-.Ltmp0, $4  }
0x39: {  	v0 =	vld.idx.msk [tilespmem:v1+s3+$0x0], $0xffff  }
0x3a: {  	s0 =	sadd.s32 $0x80, s0;
	v1 =	vld.idx.msk [tilespmem:v2+s3+$0x0], $0xffff  }
0x3b: {  	v2 =	vld.idx.msk [tilespmem:v4+s3+$0x0], $0xffff;
	[tilespmem:s0+$0x30] =	vst v6  }
0x3c: {  	s1 =	sadd.s32 $0x80, s1;
	v4 =	vld.idx.msk [tilespmem:v7+s3+$0x0], $0xffff;
	[tilespmem:s0+$0xFFFFFFD0] =	vst v8  }
0x3d: {  	[tilespmem:s0+$0xFFFFFFE0] =	vst v5  }
0x3e: {  	[tilespmem:s0+$0xFFFFFFF0] =	vst v3  }
0x3f: {  	[tilespmem:s0+$0x0] =	vst v0  }
0x40: {  	[tilespmem:s0+$0x10] =	vst v1  }
0x41: {  	[tilespmem:s0+$0x20] =	vst v2  }
0x42: {  	[tilespmem:s0+$0xFFFFFFC0] =	vst v4  }
0x43: {  	[hbm4b:s6+s3] =	stream.linear.scatter [tilespmem:s25], [sflag:$0x3], $0x4000, $0x38;
	[tilespmem:$0x10080] =	vst v63  }
0x44: {  	_ = 	snop  }
0x45: {  	[tilespmem:s21], [sflag:$0x1] =	stream.linear.gather [hbm4b:s7+s3], $0x4000, $0x38;
	[tilespmem:$0x10080] =	vst v63  }
0x46: {  	_ =	swait.ge [sflag:s26], $0x4000  }
0x47: {  	[sflag:s26] =	ssyncset.done $0x0  }
0x48: {  	s2 =	simm.s32 $0x40C0;
	[sflag:s26] =	ssyncadd.s32 $0xFFFFC000  }
0x49: {  	v0 =	vld [tilespmem:s2+$0x30]  }
0x4a: {  	v1 =	vld [tilespmem:s2+$0xFFFFFFD0]  }
0x4b: {  	v2 =	vld [tilespmem:s2+$0xFFFFFFE0]  }
0x4c: {  	v3 =	vld [tilespmem:s2+$0xFFFFFFF0]  }
0x4d: {  	v4 =	vld [tilespmem:s2+$0x0]  }
0x4e: {  	v6 =	vld [tilespmem:s2+$0x10]  }
0x4f: {  	v7 =	vld [tilespmem:s2+$0x20]  }
0x50: {  	v8 =	vld [tilespmem:s2+$0xFFFFFFC0]  }
0x51: {  	v9 =	vld.idx.msk [tilespmem:v0+s3+$0x0], $0xffff  }
0x52: {  	v10 =	vld.idx.msk [tilespmem:v1+s3+$0x0], $0xffff  }
0x53: {  	v5 =	vld.idx.msk [tilespmem:v2+s3+$0x0], $0xffff  }
0x54: {  	v3 =	vld.idx.msk [tilespmem:v3+s3+$0x0], $0xffff  }
0x55: {  	v0 =	vld.idx.msk [tilespmem:v4+s3+$0x0], $0xffff  }
0x56: {  	s0 =	simm.s32 $0xC0C0;
	v1 =	vld.idx.msk [tilespmem:v6+s3+$0x0], $0xffff  }
0x57: {  	v2 =	vld.idx.msk [tilespmem:v7+s3+$0x0], $0xffff;
	[tilespmem:s0+$0x30] =	vst v9  }
0x58: {  	s1 =	simm.s32 $0x4140;
	s2 =	simm.s32 $0x0;
	v4 =	vld.idx.msk [tilespmem:v8+s3+$0x0], $0xffff;
	[tilespmem:s0+$0xFFFFFFD0] =	vst v10  }
.LBB2_4:
0x59: {  	v6 =	vld [tilespmem:s1+$0x30];
	s2 =	sadd.s32 $0x80, s2;
	[tilespmem:s0+$0xFFFFFFE0] =	vst v5  }
0x5a: {  	v5 =	vld [tilespmem:s1+$0xFFFFFFD0];
	p0 =	slt.u32 s2, $0x3F80;
	[tilespmem:s0+$0xFFFFFFF0] =	vst v3  }
0x5b: {  	v3 =	vld [tilespmem:s1+$0xFFFFFFE0];
	[tilespmem:s0+$0x0] =	vst v0  }
0x5c: {  	v0 =	vld [tilespmem:s1+$0xFFFFFFF0];
	[tilespmem:s0+$0x10] =	vst v1  }
0x5d: {  	v1 =	vld [tilespmem:s1+$0x0];
	[tilespmem:s0+$0x20] =	vst v2  }
0x5e: {  	v2 =	vld [tilespmem:s1+$0x10];
	[tilespmem:s0+$0xFFFFFFC0] =	vst v4  }
0x5f: {  	v4 =	vld [tilespmem:s1+$0x20]  }
0x60: {  	v7 =	vld [tilespmem:s1+$0xFFFFFFC0]  }
0x61: {  	v6 =	vld.idx.msk [tilespmem:v6+s3+$0x0], $0xffff  }
0x62: {  	v8 =	vld.idx.msk [tilespmem:v5+s3+$0x0], $0xffff  }
0x63: {  	v5 =	vld.idx.msk [tilespmem:v3+s3+$0x0], $0xffff  }
.Ltmp1:
0x64: {  	v3 =	vld.idx.msk [tilespmem:v0+s3+$0x0], $0xffff;
	(pc) =	sbr.rel @p0 .LBB2_4-.Ltmp1, $4  }
0x65: {  	v0 =	vld.idx.msk [tilespmem:v1+s3+$0x0], $0xffff  }
0x66: {  	s0 =	sadd.s32 $0x80, s0;
	v1 =	vld.idx.msk [tilespmem:v2+s3+$0x0], $0xffff  }
0x67: {  	v2 =	vld.idx.msk [tilespmem:v4+s3+$0x0], $0xffff;
	[tilespmem:s0+$0x30] =	vst v6  }
0x68: {  	s1 =	sadd.s32 $0x80, s1;
	v4 =	vld.idx.msk [tilespmem:v7+s3+$0x0], $0xffff;
	[tilespmem:s0+$0xFFFFFFD0] =	vst v8  }
0x69: {  	[tilespmem:s0+$0xFFFFFFE0] =	vst v5  }
0x6a: {  	[tilespmem:s0+$0xFFFFFFF0] =	vst v3  }
0x6b: {  	[tilespmem:s0+$0x0] =	vst v0  }
0x6c: {  	[tilespmem:s0+$0x10] =	vst v1  }
0x6d: {  	[tilespmem:s0+$0x20] =	vst v2  }
0x6e: {  	[tilespmem:s0+$0xFFFFFFC0] =	vst v4  }
0x6f: {  	[hbm4b:s8+s3] =	stream.linear.scatter [tilespmem:s28], [sflag:$0x4], $0x4000, $0x38;
	[tilespmem:$0x10080] =	vst v63  }
0x70: {  	_ = 	snop  }
0x71: {  	[tilespmem:s22], [sflag:$0x2] =	stream.linear.gather [hbm4b:s9+s3], $0x4000, $0x38;
	[tilespmem:$0x10080] =	vst v63  }
0x72: {  	_ =	swait.ge [sflag:s24], $0x4000  }
0x73: {  	[sflag:s24] =	ssyncset.done $0x0  }
0x74: {  	[sflag:s24] =	ssyncadd.s32 $0xFFFFC000  }
0x75: {  	_ =	swait.ge [sflag:s29], $0x4000  }
0x76: {  	[sflag:s29] =	ssyncset.done $0x0  }
0x77: {  	s2 =	simm.s32 $0xC0;
	[sflag:s29] =	ssyncadd.s32 $0xFFFFC000  }
0x78: {  	v0 =	vld [tilespmem:s2+$0x30]  }
0x79: {  	v1 =	vld [tilespmem:s2+$0xFFFFFFD0]  }
0x7a: {  	v2 =	vld [tilespmem:s2+$0xFFFFFFE0]  }
0x7b: {  	v3 =	vld [tilespmem:s2+$0xFFFFFFF0]  }
0x7c: {  	v4 =	vld [tilespmem:s2+$0x0]  }
0x7d: {  	v6 =	vld [tilespmem:s2+$0x10]  }
0x7e: {  	v7 =	vld [tilespmem:s2+$0x20]  }
0x7f: {  	v8 =	vld [tilespmem:s2+$0xFFFFFFC0]  }
0x80: {  	v9 =	vld.idx.msk [tilespmem:v0+s3+$0x0], $0xffff  }
0x81: {  	v10 =	vld.idx.msk [tilespmem:v1+s3+$0x0], $0xffff  }
0x82: {  	v5 =	vld.idx.msk [tilespmem:v2+s3+$0x0], $0xffff  }
0x83: {  	v3 =	vld.idx.msk [tilespmem:v3+s3+$0x0], $0xffff  }
0x84: {  	v0 =	vld.idx.msk [tilespmem:v4+s3+$0x0], $0xffff  }
0x85: {  	s0 =	simm.s32 $0x80C0;
	v1 =	vld.idx.msk [tilespmem:v6+s3+$0x0], $0xffff  }
0x86: {  	v2 =	vld.idx.msk [tilespmem:v7+s3+$0x0], $0xffff;
	[tilespmem:s0+$0x30] =	vst v9  }
0x87: {  	s1 =	simm.s32 $0x140;
	s2 =	simm.s32 $0x0;
	v4 =	vld.idx.msk [tilespmem:v8+s3+$0x0], $0xffff;
	[tilespmem:s0+$0xFFFFFFD0] =	vst v10  }
.LBB2_6:
0x88: {  	v6 =	vld [tilespmem:s1+$0x30];
	s2 =	sadd.s32 $0x80, s2;
	[tilespmem:s0+$0xFFFFFFE0] =	vst v5  }
0x89: {  	v5 =	vld [tilespmem:s1+$0xFFFFFFD0];
	p0 =	slt.u32 s2, $0x3F80;
	[tilespmem:s0+$0xFFFFFFF0] =	vst v3  }
0x8a: {  	v3 =	vld [tilespmem:s1+$0xFFFFFFE0];
	[tilespmem:s0+$0x0] =	vst v0  }
0x8b: {  	v0 =	vld [tilespmem:s1+$0xFFFFFFF0];
	[tilespmem:s0+$0x10] =	vst v1  }
0x8c: {  	v1 =	vld [tilespmem:s1+$0x0];
	[tilespmem:s0+$0x20] =	vst v2  }
0x8d: {  	v2 =	vld [tilespmem:s1+$0x10];
	[tilespmem:s0+$0xFFFFFFC0] =	vst v4  }
0x8e: {  	v4 =	vld [tilespmem:s1+$0x20]  }
0x8f: {  	v7 =	vld [tilespmem:s1+$0xFFFFFFC0]  }
0x90: {  	v6 =	vld.idx.msk [tilespmem:v6+s3+$0x0], $0xffff  }
0x91: {  	v8 =	vld.idx.msk [tilespmem:v5+s3+$0x0], $0xffff  }
0x92: {  	v5 =	vld.idx.msk [tilespmem:v3+s3+$0x0], $0xffff  }
.Ltmp2:
0x93: {  	v3 =	vld.idx.msk [tilespmem:v0+s3+$0x0], $0xffff;
	(pc) =	sbr.rel @p0 .LBB2_6-.Ltmp2, $4  }
0x94: {  	v0 =	vld.idx.msk [tilespmem:v1+s3+$0x0], $0xffff  }
0x95: {  	s0 =	sadd.s32 $0x80, s0;
	v1 =	vld.idx.msk [tilespmem:v2+s3+$0x0], $0xffff  }
0x96: {  	v2 =	vld.idx.msk [tilespmem:v4+s3+$0x0], $0xffff;
	[tilespmem:s0+$0x30] =	vst v6  }
0x97: {  	s1 =	sadd.s32 $0x80, s1;
	v4 =	vld.idx.msk [tilespmem:v7+s3+$0x0], $0xffff;
	[tilespmem:s0+$0xFFFFFFD0] =	vst v8  }
0x98: {  	[tilespmem:s0+$0xFFFFFFE0] =	vst v5  }
0x99: {  	[tilespmem:s0+$0xFFFFFFF0] =	vst v3  }
0x9a: {  	[tilespmem:s0+$0x0] =	vst v0  }
0x9b: {  	[tilespmem:s0+$0x10] =	vst v1  }
0x9c: {  	[tilespmem:s0+$0x20] =	vst v2  }
0x9d: {  	[tilespmem:s0+$0xFFFFFFC0] =	vst v4  }
0x9e: {  	[hbm4b:s10+s3] =	stream.linear.scatter [tilespmem:s25], [sflag:$0x3], $0x4000, $0x38;
	[tilespmem:$0x10080] =	vst v63  }
0x9f: {  	_ = 	snop  }
0xa0: {  	[tilespmem:s21], [sflag:$0x1] =	stream.linear.gather [hbm4b:s11+s3], $0x4000, $0x38;
	[tilespmem:$0x10080] =	vst v63  }
0xa1: {  	_ =	swait.ge [sflag:s26], $0x4000  }
0xa2: {  	[sflag:s26] =	ssyncset.done $0x0  }
0xa3: {  	[sflag:s26] =	ssyncadd.s32 $0xFFFFC000  }
0xa4: {  	_ =	swait.ge [sflag:s30], $0x4000  }
0xa5: {  	[sflag:s30] =	ssyncset.done $0x0  }
0xa6: {  	s2 =	simm.s32 $0x40C0;
	[sflag:s30] =	ssyncadd.s32 $0xFFFFC000  }
0xa7: {  	v0 =	vld [tilespmem:s2+$0x30]  }
0xa8: {  	v1 =	vld [tilespmem:s2+$0xFFFFFFD0]  }
0xa9: {  	v2 =	vld [tilespmem:s2+$0xFFFFFFE0]  }
0xaa: {  	v3 =	vld [tilespmem:s2+$0xFFFFFFF0]  }
0xab: {  	v4 =	vld [tilespmem:s2+$0x0]  }
0xac: {  	v6 =	vld [tilespmem:s2+$0x10]  }
0xad: {  	v7 =	vld [tilespmem:s2+$0x20]  }
0xae: {  	v8 =	vld [tilespmem:s2+$0xFFFFFFC0]  }
0xaf: {  	v9 =	vld.idx.msk [tilespmem:v0+s3+$0x0], $0xffff  }
0xb0: {  	v10 =	vld.idx.msk [tilespmem:v1+s3+$0x0], $0xffff  }
0xb1: {  	v5 =	vld.idx.msk [tilespmem:v2+s3+$0x0], $0xffff  }
0xb2: {  	v3 =	vld.idx.msk [tilespmem:v3+s3+$0x0], $0xffff  }
0xb3: {  	v0 =	vld.idx.msk [tilespmem:v4+s3+$0x0], $0xffff  }
0xb4: {  	s0 =	simm.s32 $0xC0C0;
	v1 =	vld.idx.msk [tilespmem:v6+s3+$0x0], $0xffff  }
0xb5: {  	v2 =	vld.idx.msk [tilespmem:v7+s3+$0x0], $0xffff;
	[tilespmem:s0+$0x30] =	vst v9  }
0xb6: {  	s1 =	simm.s32 $0x4140;
	s2 =	simm.s32 $0x0;
	v4 =	vld.idx.msk [tilespmem:v8+s3+$0x0], $0xffff;
	[tilespmem:s0+$0xFFFFFFD0] =	vst v10  }
.LBB2_8:
0xb7: {  	v6 =	vld [tilespmem:s1+$0x30];
	s2 =	sadd.s32 $0x80, s2;
	[tilespmem:s0+$0xFFFFFFE0] =	vst v5  }
0xb8: {  	v5 =	vld [tilespmem:s1+$0xFFFFFFD0];
	p0 =	slt.u32 s2, $0x3F80;
	[tilespmem:s0+$0xFFFFFFF0] =	vst v3  }
0xb9: {  	v3 =	vld [tilespmem:s1+$0xFFFFFFE0];
	[tilespmem:s0+$0x0] =	vst v0  }
0xba: {  	v0 =	vld [tilespmem:s1+$0xFFFFFFF0];
	[tilespmem:s0+$0x10] =	vst v1  }
0xbb: {  	v1 =	vld [tilespmem:s1+$0x0];
	[tilespmem:s0+$0x20] =	vst v2  }
0xbc: {  	v2 =	vld [tilespmem:s1+$0x10];
	[tilespmem:s0+$0xFFFFFFC0] =	vst v4  }
0xbd: {  	v4 =	vld [tilespmem:s1+$0x20]  }
0xbe: {  	v7 =	vld [tilespmem:s1+$0xFFFFFFC0]  }
0xbf: {  	v6 =	vld.idx.msk [tilespmem:v6+s3+$0x0], $0xffff  }
0xc0: {  	v8 =	vld.idx.msk [tilespmem:v5+s3+$0x0], $0xffff  }
0xc1: {  	v5 =	vld.idx.msk [tilespmem:v3+s3+$0x0], $0xffff  }
.Ltmp3:
0xc2: {  	v3 =	vld.idx.msk [tilespmem:v0+s3+$0x0], $0xffff;
	(pc) =	sbr.rel @p0 .LBB2_8-.Ltmp3, $4  }
0xc3: {  	v0 =	vld.idx.msk [tilespmem:v1+s3+$0x0], $0xffff  }
0xc4: {  	s0 =	sadd.s32 $0x80, s0;
	v1 =	vld.idx.msk [tilespmem:v2+s3+$0x0], $0xffff  }
0xc5: {  	v2 =	vld.idx.msk [tilespmem:v4+s3+$0x0], $0xffff;
	[tilespmem:s0+$0x30] =	vst v6  }
0xc6: {  	s1 =	sadd.s32 $0x80, s1;
	v4 =	vld.idx.msk [tilespmem:v7+s3+$0x0], $0xffff;
	[tilespmem:s0+$0xFFFFFFD0] =	vst v8  }
0xc7: {  	[tilespmem:s0+$0xFFFFFFE0] =	vst v5  }
0xc8: {  	[tilespmem:s0+$0xFFFFFFF0] =	vst v3  }
0xc9: {  	[tilespmem:s0+$0x0] =	vst v0  }
0xca: {  	[tilespmem:s0+$0x10] =	vst v1  }
0xcb: {  	[tilespmem:s0+$0x20] =	vst v2  }
0xcc: {  	[tilespmem:s0+$0xFFFFFFC0] =	vst v4  }
0xcd: {  	[hbm4b:s12+s3] =	stream.linear.scatter [tilespmem:s28], [sflag:$0x4], $0x4000, $0x38;
	[tilespmem:$0x10080] =	vst v63  }
0xce: {  	_ = 	snop  }
0xcf: {  	[tilespmem:s22], [sflag:$0x2] =	stream.linear.gather [hbm4b:s13+s3], $0x4000, $0x38;
	[tilespmem:$0x10080] =	vst v63  }
0xd0: {  	_ =	swait.ge [sflag:s24], $0x4000  }
0xd1: {  	[sflag:s24] =	ssyncset.done $0x0  }
0xd2: {  	[sflag:s24] =	ssyncadd.s32 $0xFFFFC000  }
0xd3: {  	_ =	swait.ge [sflag:s29], $0x4000  }
0xd4: {  	[sflag:s29] =	ssyncset.done $0x0  }
0xd5: {  	s2 =	simm.s32 $0xC0;
	[sflag:s29] =	ssyncadd.s32 $0xFFFFC000  }
0xd6: {  	v0 =	vld [tilespmem:s2+$0x30]  }
0xd7: {  	v1 =	vld [tilespmem:s2+$0xFFFFFFD0]  }
0xd8: {  	v2 =	vld [tilespmem:s2+$0xFFFFFFE0]  }
0xd9: {  	v3 =	vld [tilespmem:s2+$0xFFFFFFF0]  }
0xda: {  	v4 =	vld [tilespmem:s2+$0x0]  }
0xdb: {  	v6 =	vld [tilespmem:s2+$0x10]  }
0xdc: {  	v7 =	vld [tilespmem:s2+$0x20]  }
0xdd: {  	v8 =	vld [tilespmem:s2+$0xFFFFFFC0]  }
0xde: {  	v9 =	vld.idx.msk [tilespmem:v0+s3+$0x0], $0xffff  }
0xdf: {  	v10 =	vld.idx.msk [tilespmem:v1+s3+$0x0], $0xffff  }
0xe0: {  	v5 =	vld.idx.msk [tilespmem:v2+s3+$0x0], $0xffff  }
0xe1: {  	v3 =	vld.idx.msk [tilespmem:v3+s3+$0x0], $0xffff  }
0xe2: {  	v0 =	vld.idx.msk [tilespmem:v4+s3+$0x0], $0xffff  }
0xe3: {  	s0 =	simm.s32 $0x80C0;
	v1 =	vld.idx.msk [tilespmem:v6+s3+$0x0], $0xffff  }
0xe4: {  	v2 =	vld.idx.msk [tilespmem:v7+s3+$0x0], $0xffff;
	[tilespmem:s0+$0x30] =	vst v9  }
0xe5: {  	s1 =	simm.s32 $0x140;
	s2 =	simm.s32 $0x0;
	v4 =	vld.idx.msk [tilespmem:v8+s3+$0x0], $0xffff;
	[tilespmem:s0+$0xFFFFFFD0] =	vst v10  }
.LBB2_10:
0xe6: {  	v6 =	vld [tilespmem:s1+$0x30];
	s2 =	sadd.s32 $0x80, s2;
	[tilespmem:s0+$0xFFFFFFE0] =	vst v5  }
0xe7: {  	v5 =	vld [tilespmem:s1+$0xFFFFFFD0];
	p0 =	slt.u32 s2, $0x3F80;
	[tilespmem:s0+$0xFFFFFFF0] =	vst v3  }
0xe8: {  	v3 =	vld [tilespmem:s1+$0xFFFFFFE0];
	[tilespmem:s0+$0x0] =	vst v0  }
0xe9: {  	v0 =	vld [tilespmem:s1+$0xFFFFFFF0];
	[tilespmem:s0+$0x10] =	vst v1  }
0xea: {  	v1 =	vld [tilespmem:s1+$0x0];
	[tilespmem:s0+$0x20] =	vst v2  }
0xeb: {  	v2 =	vld [tilespmem:s1+$0x10];
	[tilespmem:s0+$0xFFFFFFC0] =	vst v4  }
0xec: {  	v4 =	vld [tilespmem:s1+$0x20]  }
0xed: {  	v7 =	vld [tilespmem:s1+$0xFFFFFFC0]  }
0xee: {  	v6 =	vld.idx.msk [tilespmem:v6+s3+$0x0], $0xffff  }
0xef: {  	v8 =	vld.idx.msk [tilespmem:v5+s3+$0x0], $0xffff  }
0xf0: {  	v5 =	vld.idx.msk [tilespmem:v3+s3+$0x0], $0xffff  }
.Ltmp4:
0xf1: {  	v3 =	vld.idx.msk [tilespmem:v0+s3+$0x0], $0xffff;
	(pc) =	sbr.rel @p0 .LBB2_10-.Ltmp4, $4  }
0xf2: {  	v0 =	vld.idx.msk [tilespmem:v1+s3+$0x0], $0xffff  }
0xf3: {  	s0 =	sadd.s32 $0x80, s0;
	v1 =	vld.idx.msk [tilespmem:v2+s3+$0x0], $0xffff  }
0xf4: {  	v2 =	vld.idx.msk [tilespmem:v4+s3+$0x0], $0xffff;
	[tilespmem:s0+$0x30] =	vst v6  }
0xf5: {  	s1 =	sadd.s32 $0x80, s1;
	v4 =	vld.idx.msk [tilespmem:v7+s3+$0x0], $0xffff;
	[tilespmem:s0+$0xFFFFFFD0] =	vst v8  }
0xf6: {  	[tilespmem:s0+$0xFFFFFFE0] =	vst v5  }
0xf7: {  	[tilespmem:s0+$0xFFFFFFF0] =	vst v3  }
0xf8: {  	[tilespmem:s0+$0x0] =	vst v0  }
0xf9: {  	[tilespmem:s0+$0x10] =	vst v1  }
0xfa: {  	[tilespmem:s0+$0x20] =	vst v2  }
0xfb: {  	[tilespmem:s0+$0xFFFFFFC0] =	vst v4  }
0xfc: {  	[hbm4b:s14+s3] =	stream.linear.scatter [tilespmem:s25], [sflag:$0x3], $0x4000, $0x38;
	[tilespmem:$0x10080] =	vst v63  }
0xfd: {  	_ = 	snop  }
0xfe: {  	[tilespmem:s21], [sflag:$0x1] =	stream.linear.gather [hbm4b:s15+s3], $0x4000, $0x38;
	[tilespmem:$0x10080] =	vst v63  }
0xff: {  	_ =	swait.ge [sflag:s26], $0x4000  }
0x100: {  	[sflag:s26] =	ssyncset.done $0x0  }
0x101: {  	[sflag:s26] =	ssyncadd.s32 $0xFFFFC000  }
0x102: {  	_ =	swait.ge [sflag:s30], $0x4000  }
0x103: {  	[sflag:s30] =	ssyncset.done $0x0  }
0x104: {  	s2 =	simm.s32 $0x40C0;
	[sflag:s30] =	ssyncadd.s32 $0xFFFFC000  }
0x105: {  	v0 =	vld [tilespmem:s2+$0x30]  }
0x106: {  	v1 =	vld [tilespmem:s2+$0xFFFFFFD0]  }
0x107: {  	v2 =	vld [tilespmem:s2+$0xFFFFFFE0]  }
0x108: {  	v3 =	vld [tilespmem:s2+$0xFFFFFFF0]  }
0x109: {  	v4 =	vld [tilespmem:s2+$0x0]  }
0x10a: {  	v6 =	vld [tilespmem:s2+$0x10]  }
0x10b: {  	v7 =	vld [tilespmem:s2+$0x20]  }
0x10c: {  	v8 =	vld [tilespmem:s2+$0xFFFFFFC0]  }
0x10d: {  	v9 =	vld.idx.msk [tilespmem:v0+s3+$0x0], $0xffff  }
0x10e: {  	v10 =	vld.idx.msk [tilespmem:v1+s3+$0x0], $0xffff  }
0x10f: {  	v5 =	vld.idx.msk [tilespmem:v2+s3+$0x0], $0xffff  }
0x110: {  	v3 =	vld.idx.msk [tilespmem:v3+s3+$0x0], $0xffff  }
0x111: {  	v0 =	vld.idx.msk [tilespmem:v4+s3+$0x0], $0xffff  }
0x112: {  	s0 =	simm.s32 $0xC0C0;
	v1 =	vld.idx.msk [tilespmem:v6+s3+$0x0], $0xffff  }
0x113: {  	v2 =	vld.idx.msk [tilespmem:v7+s3+$0x0], $0xffff;
	[tilespmem:s0+$0x30] =	vst v9  }
0x114: {  	s1 =	simm.s32 $0x4140;
	s2 =	simm.s32 $0x0;
	v4 =	vld.idx.msk [tilespmem:v8+s3+$0x0], $0xffff;
	[tilespmem:s0+$0xFFFFFFD0] =	vst v10  }
.LBB2_12:
0x115: {  	v6 =	vld [tilespmem:s1+$0x30];
	s2 =	sadd.s32 $0x80, s2;
	[tilespmem:s0+$0xFFFFFFE0] =	vst v5  }
0x116: {  	v5 =	vld [tilespmem:s1+$0xFFFFFFD0];
	p0 =	slt.u32 s2, $0x3F80;
	[tilespmem:s0+$0xFFFFFFF0] =	vst v3  }
0x117: {  	v3 =	vld [tilespmem:s1+$0xFFFFFFE0];
	[tilespmem:s0+$0x0] =	vst v0  }
0x118: {  	v0 =	vld [tilespmem:s1+$0xFFFFFFF0];
	[tilespmem:s0+$0x10] =	vst v1  }
0x119: {  	v1 =	vld [tilespmem:s1+$0x0];
	[tilespmem:s0+$0x20] =	vst v2  }
0x11a: {  	v2 =	vld [tilespmem:s1+$0x10];
	[tilespmem:s0+$0xFFFFFFC0] =	vst v4  }
0x11b: {  	v4 =	vld [tilespmem:s1+$0x20]  }
0x11c: {  	v7 =	vld [tilespmem:s1+$0xFFFFFFC0]  }
0x11d: {  	v6 =	vld.idx.msk [tilespmem:v6+s3+$0x0], $0xffff  }
0x11e: {  	v8 =	vld.idx.msk [tilespmem:v5+s3+$0x0], $0xffff  }
0x11f: {  	v5 =	vld.idx.msk [tilespmem:v3+s3+$0x0], $0xffff  }
.Ltmp5:
0x120: {  	v3 =	vld.idx.msk [tilespmem:v0+s3+$0x0], $0xffff;
	(pc) =	sbr.rel @p0 .LBB2_12-.Ltmp5, $4  }
0x121: {  	v0 =	vld.idx.msk [tilespmem:v1+s3+$0x0], $0xffff  }
0x122: {  	s0 =	sadd.s32 $0x80, s0;
	v1 =	vld.idx.msk [tilespmem:v2+s3+$0x0], $0xffff  }
0x123: {  	v2 =	vld.idx.msk [tilespmem:v4+s3+$0x0], $0xffff;
	[tilespmem:s0+$0x30] =	vst v6  }
0x124: {  	s1 =	sadd.s32 $0x80, s1;
	v4 =	vld.idx.msk [tilespmem:v7+s3+$0x0], $0xffff;
	[tilespmem:s0+$0xFFFFFFD0] =	vst v8  }
0x125: {  	[tilespmem:s0+$0xFFFFFFE0] =	vst v5  }
0x126: {  	[tilespmem:s0+$0xFFFFFFF0] =	vst v3  }
0x127: {  	[tilespmem:s0+$0x0] =	vst v0  }
0x128: {  	[tilespmem:s0+$0x10] =	vst v1  }
0x129: {  	[tilespmem:s0+$0x20] =	vst v2  }
0x12a: {  	[tilespmem:s0+$0xFFFFFFC0] =	vst v4  }
0x12b: {  	[hbm4b:s16+s3] =	stream.linear.scatter [tilespmem:s28], [sflag:$0x4], $0x4000, $0x38;
	[tilespmem:$0x10080] =	vst v63  }
0x12c: {  	_ = 	snop  }
0x12d: {  	[tilespmem:s22], [sflag:$0x2] =	stream.linear.gather [hbm4b:s17+s3], $0x4000, $0x38;
	[tilespmem:$0x10080] =	vst v63  }
0x12e: {  	_ =	swait.ge [sflag:s24], $0x4000  }
0x12f: {  	[sflag:s24] =	ssyncset.done $0x0  }
0x130: {  	[sflag:s24] =	ssyncadd.s32 $0xFFFFC000  }
0x131: {  	_ =	swait.ge [sflag:s29], $0x4000  }
0x132: {  	[sflag:s29] =	ssyncset.done $0x0  }
0x133: {  	s2 =	simm.s32 $0xC0;
	[sflag:s29] =	ssyncadd.s32 $0xFFFFC000  }
0x134: {  	v0 =	vld [tilespmem:s2+$0x30]  }
0x135: {  	v1 =	vld [tilespmem:s2+$0xFFFFFFD0]  }
0x136: {  	v2 =	vld [tilespmem:s2+$0xFFFFFFE0]  }
0x137: {  	v3 =	vld [tilespmem:s2+$0xFFFFFFF0]  }
0x138: {  	v4 =	vld [tilespmem:s2+$0x0]  }
0x139: {  	v6 =	vld [tilespmem:s2+$0x10]  }
0x13a: {  	v7 =	vld [tilespmem:s2+$0x20]  }
0x13b: {  	v8 =	vld [tilespmem:s2+$0xFFFFFFC0]  }
0x13c: {  	v9 =	vld.idx.msk [tilespmem:v0+s3+$0x0], $0xffff  }
0x13d: {  	v10 =	vld.idx.msk [tilespmem:v1+s3+$0x0], $0xffff  }
0x13e: {  	v5 =	vld.idx.msk [tilespmem:v2+s3+$0x0], $0xffff  }
0x13f: {  	v3 =	vld.idx.msk [tilespmem:v3+s3+$0x0], $0xffff  }
0x140: {  	v0 =	vld.idx.msk [tilespmem:v4+s3+$0x0], $0xffff  }
0x141: {  	s0 =	simm.s32 $0x80C0;
	v1 =	vld.idx.msk [tilespmem:v6+s3+$0x0], $0xffff  }
0x142: {  	v2 =	vld.idx.msk [tilespmem:v7+s3+$0x0], $0xffff;
	[tilespmem:s0+$0x30] =	vst v9  }
0x143: {  	s1 =	simm.s32 $0x140;
	s2 =	simm.s32 $0x0;
	v4 =	vld.idx.msk [tilespmem:v8+s3+$0x0], $0xffff;
	[tilespmem:s0+$0xFFFFFFD0] =	vst v10  }
.LBB2_14:
0x144: {  	v6 =	vld [tilespmem:s1+$0x30];
	s2 =	sadd.s32 $0x80, s2;
	[tilespmem:s0+$0xFFFFFFE0] =	vst v5  }
0x145: {  	v5 =	vld [tilespmem:s1+$0xFFFFFFD0];
	p0 =	slt.u32 s2, $0x3F80;
	[tilespmem:s0+$0xFFFFFFF0] =	vst v3  }
0x146: {  	v3 =	vld [tilespmem:s1+$0xFFFFFFE0];
	[tilespmem:s0+$0x0] =	vst v0  }
0x147: {  	v0 =	vld [tilespmem:s1+$0xFFFFFFF0];
	[tilespmem:s0+$0x10] =	vst v1  }
0x148: {  	v1 =	vld [tilespmem:s1+$0x0];
	[tilespmem:s0+$0x20] =	vst v2  }
0x149: {  	v2 =	vld [tilespmem:s1+$0x10];
	[tilespmem:s0+$0xFFFFFFC0] =	vst v4  }
0x14a: {  	v4 =	vld [tilespmem:s1+$0x20]  }
0x14b: {  	v7 =	vld [tilespmem:s1+$0xFFFFFFC0]  }
0x14c: {  	v6 =	vld.idx.msk [tilespmem:v6+s3+$0x0], $0xffff  }
0x14d: {  	v8 =	vld.idx.msk [tilespmem:v5+s3+$0x0], $0xffff  }
0x14e: {  	v5 =	vld.idx.msk [tilespmem:v3+s3+$0x0], $0xffff  }
.Ltmp6:
0x14f: {  	v3 =	vld.idx.msk [tilespmem:v0+s3+$0x0], $0xffff;
	(pc) =	sbr.rel @p0 .LBB2_14-.Ltmp6, $4  }
0x150: {  	v0 =	vld.idx.msk [tilespmem:v1+s3+$0x0], $0xffff  }
0x151: {  	s0 =	sadd.s32 $0x80, s0;
	v1 =	vld.idx.msk [tilespmem:v2+s3+$0x0], $0xffff  }
0x152: {  	v2 =	vld.idx.msk [tilespmem:v4+s3+$0x0], $0xffff;
	[tilespmem:s0+$0x30] =	vst v6  }
0x153: {  	s1 =	sadd.s32 $0x80, s1;
	v4 =	vld.idx.msk [tilespmem:v7+s3+$0x0], $0xffff;
	[tilespmem:s0+$0xFFFFFFD0] =	vst v8  }
0x154: {  	[tilespmem:s0+$0xFFFFFFE0] =	vst v5  }
0x155: {  	[tilespmem:s0+$0xFFFFFFF0] =	vst v3  }
0x156: {  	[tilespmem:s0+$0x0] =	vst v0  }
0x157: {  	[tilespmem:s0+$0x10] =	vst v1  }
0x158: {  	[tilespmem:s0+$0x20] =	vst v2  }
0x159: {  	[tilespmem:s0+$0xFFFFFFC0] =	vst v4  }
0x15a: {  	[hbm4b:s18+s3] =	stream.linear.scatter [tilespmem:s25], [sflag:$0x3], $0x4000, $0x38;
	[tilespmem:$0x10080] =	vst v63  }
0x15b: {  	_ =	swait.ge [sflag:s26], $0x4000  }
0x15c: {  	[sflag:s26] =	ssyncset.done $0x0  }
0x15d: {  	[sflag:s26] =	ssyncadd.s32 $0xFFFFC000  }
0x15e: {  	_ =	swait.ge [sflag:s30], $0x4000  }
0x15f: {  	[sflag:s30] =	ssyncset.done $0x0  }
0x160: {  	s2 =	simm.s32 $0x40C0;
	[sflag:s30] =	ssyncadd.s32 $0xFFFFC000  }
0x161: {  	v0 =	vld [tilespmem:s2+$0x30]  }
0x162: {  	v1 =	vld [tilespmem:s2+$0xFFFFFFD0]  }
0x163: {  	v2 =	vld [tilespmem:s2+$0xFFFFFFE0]  }
0x164: {  	v3 =	vld [tilespmem:s2+$0xFFFFFFF0]  }
0x165: {  	v4 =	vld [tilespmem:s2+$0x0]  }
0x166: {  	v6 =	vld [tilespmem:s2+$0x10]  }
0x167: {  	v7 =	vld [tilespmem:s2+$0x20]  }
0x168: {  	v8 =	vld [tilespmem:s2+$0xFFFFFFC0]  }
0x169: {  	v9 =	vld.idx.msk [tilespmem:v0+s3+$0x0], $0xffff  }
0x16a: {  	v10 =	vld.idx.msk [tilespmem:v1+s3+$0x0], $0xffff  }
0x16b: {  	v5 =	vld.idx.msk [tilespmem:v2+s3+$0x0], $0xffff  }
0x16c: {  	v3 =	vld.idx.msk [tilespmem:v3+s3+$0x0], $0xffff  }
0x16d: {  	v0 =	vld.idx.msk [tilespmem:v4+s3+$0x0], $0xffff  }
0x16e: {  	s0 =	simm.s32 $0xC0C0;
	v1 =	vld.idx.msk [tilespmem:v6+s3+$0x0], $0xffff  }
0x16f: {  	v2 =	vld.idx.msk [tilespmem:v7+s3+$0x0], $0xffff;
	[tilespmem:s0+$0x30] =	vst v9  }
0x170: {  	s1 =	simm.s32 $0x4140;
	s2 =	simm.s32 $0x0;
	v4 =	vld.idx.msk [tilespmem:v8+s3+$0x0], $0xffff;
	[tilespmem:s0+$0xFFFFFFD0] =	vst v10  }
.LBB2_16:
0x171: {  	v6 =	vld [tilespmem:s1+$0x30];
	s2 =	sadd.s32 $0x80, s2;
	[tilespmem:s0+$0xFFFFFFE0] =	vst v5  }
0x172: {  	v5 =	vld [tilespmem:s1+$0xFFFFFFD0];
	p0 =	slt.u32 s2, $0x3F80;
	[tilespmem:s0+$0xFFFFFFF0] =	vst v3  }
0x173: {  	v3 =	vld [tilespmem:s1+$0xFFFFFFE0];
	[tilespmem:s0+$0x0] =	vst v0  }
0x174: {  	v0 =	vld [tilespmem:s1+$0xFFFFFFF0];
	[tilespmem:s0+$0x10] =	vst v1  }
0x175: {  	v1 =	vld [tilespmem:s1+$0x0];
	[tilespmem:s0+$0x20] =	vst v2  }
0x176: {  	v2 =	vld [tilespmem:s1+$0x10];
	[tilespmem:s0+$0xFFFFFFC0] =	vst v4  }
0x177: {  	v4 =	vld [tilespmem:s1+$0x20]  }
0x178: {  	v7 =	vld [tilespmem:s1+$0xFFFFFFC0]  }
0x179: {  	v6 =	vld.idx.msk [tilespmem:v6+s3+$0x0], $0xffff  }
0x17a: {  	v8 =	vld.idx.msk [tilespmem:v5+s3+$0x0], $0xffff  }
0x17b: {  	v5 =	vld.idx.msk [tilespmem:v3+s3+$0x0], $0xffff  }
.Ltmp7:
0x17c: {  	v3 =	vld.idx.msk [tilespmem:v0+s3+$0x0], $0xffff;
	(pc) =	sbr.rel @p0 .LBB2_16-.Ltmp7, $4  }
0x17d: {  	v0 =	vld.idx.msk [tilespmem:v1+s3+$0x0], $0xffff  }
0x17e: {  	s0 =	sadd.s32 $0x80, s0;
	v1 =	vld.idx.msk [tilespmem:v2+s3+$0x0], $0xffff  }
0x17f: {  	v2 =	vld.idx.msk [tilespmem:v4+s3+$0x0], $0xffff;
	[tilespmem:s0+$0x30] =	vst v6  }
0x180: {  	s1 =	sadd.s32 $0x80, s1;
	v4 =	vld.idx.msk [tilespmem:v7+s3+$0x0], $0xffff;
	[tilespmem:s0+$0xFFFFFFD0] =	vst v8  }
0x181: {  	[tilespmem:s0+$0xFFFFFFE0] =	vst v5  }
0x182: {  	[tilespmem:s0+$0xFFFFFFF0] =	vst v3  }
0x183: {  	[tilespmem:s0+$0x0] =	vst v0  }
0x184: {  	[tilespmem:s0+$0x10] =	vst v1  }
0x185: {  	[tilespmem:s0+$0x20] =	vst v2  }
0x186: {  	s31 =	sadd.s32 $0x1, s31;
	[tilespmem:s0+$0xFFFFFFC0] =	vst v4  }
0x187: {  	[hbm4b:s19+s3] =	stream.linear.scatter [tilespmem:s28], [sflag:$0x4], $0x4000, $0x38;
	[tilespmem:$0x10080] =	vst v63  }
0x188: {  	p0 =	sne.s32 s31, s20;
	_ =	swait.ge [sflag:s29], $0x4000  }
.Ltmp8:
0x189: {  	[sflag:s29] =	ssyncset.done $0x0;
	(pc) =	sbr.rel @p0 .LBB2_1-.Ltmp8, $4  }
0x18a: {  	[sflag:s29] =	ssyncadd.s32 $0xFFFFC000  }
0x18b: {  	_ =	swait.ge [sflag:s30], $0x4000  }
0x18c: {  	[sflag:s30] =	ssyncset.done $0x0  }
0x18d: {  	[sflag:s30] =	ssyncadd.s32 $0xFFFFC000  }
0x18e: {  	_ =	sfence.sel $0x180000  }
0x18f: {  	[bflag:$0x0] =	sbarrier.arrive $0xFFFF  }
0x190: {  	_ =	strace $0x90000047  }
0x191: {  	s0 =	stileid.u32;
	[bflag:$0x2] =	sbarrier.arrive $0xFFFF  }
0x192: {  	p0 =	sne.s32 s0, $0x0;
	s0 =	rddreg [dreg:$0x3]  }
0x193: {  	s0 =	sadd.s32 @!p0 $0x100000, s0  }
0x194: {  	[sflag:s0] =	ssyncadd.tile.s32 @!p0 $0x1;
	_ =	shalt  }
.Lfunc_end2:
_tile_overlayer_lowered:
.L_overlay_start_2:
0x195: {  	(tag) =	ssettag $0x2  }
0x196: {  	s0 =	rddreg [dreg:$0x0];
	s2 =	stileid.u32  }
0x197: {  	s1 =	rddreg [dreg:$0x1];
	p0 =	sne.s32 s2, $0x0  }
0x198: {  	s3 =	rddreg [dreg:$0x2];
	[bflag:$0x3] =	sbarrier.arrive $0xFFFF;
	s2 =	simm.s32 @!p0 $0x1C05  }
0x199: {  	[timem:s3], [sflag:s2] =	dma.local @!p0 [hbm:s0], s1  }
0x19a: {  	s0 =	simm.s32 @!p0 $0x5  }
0x19b: {  	_ =	swait.ge @!p0 [sflag:s0], s1  }
0x19c: {  	s1 =	ssub.s32 @!p0 $0x0, s1;
	[sflag:s0] =	ssyncset.done @!p0 $0x0  }
0x19d: {  	[sflag:s0] =	ssyncadd.s32 @!p0 s1  }
0x19e: {  	[bflag:$0x3] =	sbarrier.arrive $0xFFFF  }
0x19f: {  	_ =	shalt  }

</sc_bundles>
